<compile_context>
chip_gen: v7x
topology: tpu7x:2x2x1
jax: 0.10.2.dev20260603
libtpu: 0.0.44.dev20260713+nightly
codegen_flags: <defaults>
</compile_context>

<pallas_src>
import functools

import jax
import jax.numpy as jnp
from jax import lax
from jax.experimental import pallas as pl
from jax.experimental.pallas import tpu as pltpu
from jax.experimental.pallas import tpu_sc as plsc

EMBED = 768
MAX_POS = 64
LANES = 16
CHUNK = 16
NBUF = 4


@functools.cache
def _make_kernel(n_batch, n_seq):
    n_rows = n_batch * n_seq
    info = plsc.get_sparse_core_info()
    nc, ns = info.num_cores, info.num_subcores
    nw = nc * ns
    rows_per_w = n_rows // nw
    seq_per_w = n_seq // nw
    n_chunks = rows_per_w // CHUNK
    chunks_per_seq = n_batch // CHUNK
    n_groups = n_chunks // NBUF
    assert n_groups * NBUF == n_chunks
    mesh = plsc.VectorSubcoreMesh(core_axis_name="c", subcore_axis_name="s")

    @functools.partial(
        pl.kernel,
        out_type=jax.ShapeDtypeStruct((n_batch, n_seq, EMBED), jnp.float32),
        mesh=mesh,
        scratch_types=(
            [pltpu.VMEM((CHUNK,), jnp.int32)] * NBUF
            + [pltpu.VMEM((CHUNK, EMBED), jnp.float32)] * NBUF
            + [pltpu.VMEM((MAX_POS, EMBED), jnp.float32)]
            + [pltpu.SemaphoreType.DMA] * (3 * NBUF)
        ),
    )
    def k(ids_hbm, table_hbm, pos_hbm, out_hbm, *scratch):
        idx = scratch[:NBUF]
        rows = scratch[NBUF:2 * NBUF]
        pos_v = scratch[2 * NBUF]
        semg = scratch[2 * NBUF + 1:3 * NBUF + 1]
        semi = scratch[3 * NBUF + 1:4 * NBUF + 1]
        semw = scratch[4 * NBUF + 1:]

        wid = lax.axis_index("s") * nc + lax.axis_index("c")
        sbase = wid * seq_per_w
        cbase = wid * n_chunks
        pltpu.sync_copy(pos_hbm, pos_v)

        def id_load(c, b):
            return pltpu.make_async_copy(ids_hbm.at[cbase + c], idx[b], semi[b])

        def gather(b):
            return pltpu.make_async_copy(table_hbm.at[idx[b]], rows[b], semg[b])

        def writeout(c, b):
            s = sbase + c // chunks_per_seq
            b0 = (c % chunks_per_seq) * CHUNK
            return pltpu.make_async_copy(
                rows[b], out_hbm.at[pl.ds(b0, CHUNK), s], semw[b]
            )

        def addpos(b, c):
            s = sbase + c // chunks_per_seq

            def col(d, carry):
                sl = pl.ds(d * LANES, LANES)
                pv = pos_v[s, sl]
                for r in range(CHUNK):
                    plsc.addupdate(rows[b].at[r, sl], pv)
                return carry

            lax.fori_loop(0, EMBED // LANES, col, 0)

        id_load(0, 0).start()
        id_load(0, 0).wait()
        gather(0).start()
        id_load(1, 1).start()
        id_load(1, 1).wait()
        gather(1).start()
        id_load(2, 2).start()
        id_load(2, 2).wait()
        gather(2).start()
        id_load(3, 3).start()

        def group_body(i, carry):
            for j in range(NBUF):
                c = NBUF * i + j
                gather(j).wait()

                @pl.when(c + NBUF < n_chunks)
                def _():
                    id_load(c + NBUF, j).start()

                addpos(j, c)
                writeout(c, j).start()

                b = (j + 3) % NBUF
                if j == 0:
                    @pl.when(i >= 1)
                    def _():
                        writeout(c - 1, b).wait()
                else:
                    writeout(c - 1, b).wait()

                @pl.when(c + 3 < n_chunks)
                def _():
                    id_load(c + 3, b).wait()
                    gather(b).start()

            return carry

        lax.fori_loop(0, n_groups, group_body, 0)

        writeout(n_chunks - 1, 3).wait()

    return k


def kernel(input_ids, token_embedding, position_embedding):
    b, s = input_ids.shape
    ids_t = input_ids.T.reshape(b * s // CHUNK, CHUNK).astype(jnp.int32)
    out = _make_kernel(b, s)(ids_t, token_embedding, position_embedding)
    return out

# --- scband reference (transcript-rebuilt; emitter-appended) ---
"""Pipeline reference for scband-siglip-text-embeddings-4303557231415 (READ-ONLY COPY).

The authoritative reference and input builder live on the scoring server;
editing this copy changes nothing except your own understanding.
"""

import jax, jax.numpy as jnp
import numpy as np

VOCAB = 256000
MAX_POS = 64
EMBED = 768
BATCH = 4096
SEQ = 64


def setup_inputs(seed: int = 0) -> dict:
    key = jax.random.key(seed)
    k1, k2, k3 = jax.random.split(key, 3)
    input_ids = jax.random.randint(k1, (BATCH, SEQ), 0, VOCAB, dtype=jnp.int64 if jax.config.jax_enable_x64 else jnp.int32)
    token_embedding = jax.random.normal(k2, (VOCAB, EMBED), dtype=jnp.float32) * 0.02
    position_embedding = jax.random.normal(k3, (MAX_POS, EMBED), dtype=jnp.float32) * 0.02
    return {
        "input_ids": input_ids,
        "token_embedding": token_embedding,
        "position_embedding": position_embedding,
    }


def reference(input_ids, token_embedding, position_embedding):
    seq_length = input_ids.shape[-1]
    position_ids = jnp.arange(position_embedding.shape[0])[None, :seq_length]
    inputs_embeds = jnp.take(token_embedding, input_ids, axis=0)
    position_embeddings = jnp.take(position_embedding, position_ids, axis=0)
    embeddings = inputs_embeds + position_embeddings
    return embeddings

if __name__ == "__main__":
    import jax
    _d = setup_inputs()
    print(jax.jit(kernel)(*tuple(_d.values())))

</pallas_src>

<mosaic_0001>
#map = affine_map<(d0, d1) -> (0, 0)>
#map1 = affine_map<(d0, d1) -> (0, 0, 0)>
module attributes {stable_mosaic.version = 14 : i64} {
  func.func @k(%arg0: i32, %arg1: i32, %arg2: memref<16384x16xi32, #tpu.memory_space<hbm>>, %arg3: memref<256000x768xf32, #tpu.memory_space<hbm>>, %arg4: memref<64x768xf32, #tpu.memory_space<hbm>>, %arg5: memref<4096x64x768xf32, #tpu.memory_space<hbm>>, %arg6: memref<16xi32, #tpu.memory_space<vmem>>, %arg7: memref<16xi32, #tpu.memory_space<vmem>>, %arg8: memref<16xi32, #tpu.memory_space<vmem>>, %arg9: memref<16xi32, #tpu.memory_space<vmem>>, %arg10: memref<16x768xf32, #tpu.memory_space<vmem>>, %arg11: memref<16x768xf32, #tpu.memory_space<vmem>>, %arg12: memref<16x768xf32, #tpu.memory_space<vmem>>, %arg13: memref<16x768xf32, #tpu.memory_space<vmem>>, %arg14: memref<64x768xf32, #tpu.memory_space<vmem>>, %arg15: memref<!tpu.dma_semaphore, #tpu.memory_space<semaphore_mem>>, %arg16: memref<!tpu.dma_semaphore, #tpu.memory_space<semaphore_mem>>, %arg17: memref<!tpu.dma_semaphore, #tpu.memory_space<semaphore_mem>>, %arg18: memref<!tpu.dma_semaphore, #tpu.memory_space<semaphore_mem>>, %arg19: memref<!tpu.dma_semaphore, #tpu.memory_space<semaphore_mem>>, %arg20: memref<!tpu.dma_semaphore, #tpu.memory_space<semaphore_mem>>, %arg21: memref<!tpu.dma_semaphore, #tpu.memory_space<semaphore_mem>>, %arg22: memref<!tpu.dma_semaphore, #tpu.memory_space<semaphore_mem>>, %arg23: memref<!tpu.dma_semaphore, #tpu.memory_space<semaphore_mem>>, %arg24: memref<!tpu.dma_semaphore, #tpu.memory_space<semaphore_mem>>, %arg25: memref<!tpu.dma_semaphore, #tpu.memory_space<semaphore_mem>>, %arg26: memref<!tpu.dma_semaphore, #tpu.memory_space<semaphore_mem>>) attributes {dimension_semantics = [#tpu.dimension_semantics<core_parallel>, #tpu.dimension_semantics<subcore_parallel>], iteration_bounds = array<i64: 2, 16>, scalar_prefetch = 0 : i64, scratch_operands = 21 : i64, tpu.core_type = #tpu.core_type<sc_vector_subcore>, window_params = [{transform_indices = #map}, {transform_indices = #map}, {transform_indices = #map}, {transform_indices = #map1}]} {
    %mul3A = arith.constant 2 : i32
    %mul3A_0 = arith.muli %arg1, %mul3A : i32
    %add3A = arith.addi %mul3A_0, %arg0 : i32
    %mul3A_1 = arith.constant 2 : i32
    %mul3A_2 = arith.muli %add3A, %mul3A_1 : i32
    %mul3A_3 = arith.constant 512 : i32
    %mul3A_4 = arith.muli %add3A, %mul3A_3 : i32
    "tpu.region"() ({
      %run_scoped3A = tpu.sem_alloc : memref<!tpu.dma_semaphore, #tpu.memory_space<semaphore_mem>>
      tpu.enqueue_dma source(%arg4 : memref<64x768xf32, #tpu.memory_space<hbm>>) target(%arg14 : memref<64x768xf32, #tpu.memory_space<vmem>>) target_semaphore(%run_scoped3A : memref<!tpu.dma_semaphore, #tpu.memory_space<semaphore_mem>>)
      tpu.wait_dma2 semaphore(%run_scoped3A : memref<!tpu.dma_semaphore, #tpu.memory_space<semaphore_mem>>) src(%arg4 : memref<64x768xf32, #tpu.memory_space<hbm>>) dst(%arg14 : memref<64x768xf32, #tpu.memory_space<vmem>>)
      tpu.yield
    }) : () -> ()
    %add3A_5 = arith.constant 0 : i32
    %add3A_6 = arith.addi %mul3A_4, %add3A_5 : i32
    %dma_start3A = arith.constant 0 : i32
    %dma_start3A_7 = tpu.memref_slice %arg2[%add3A_6, %dma_start3A] : memref<16384x16xi32, #tpu.memory_space<hbm>> -> memref<1x16xi32, #tpu.memory_space<hbm>>
    %dma_start3A_8 = tpu.memref_squeeze %dma_start3A_7 : memref<1x16xi32, #tpu.memory_space<hbm>> -> memref<16xi32, #tpu.memory_space<hbm>>
    %dma_start3A_9 = arith.constant 0 : i32
    %dma_start3A_10 = tpu.memref_slice %arg2[%add3A_6, %dma_start3A_9] : memref<16384x16xi32, #tpu.memory_space<hbm>> -> memref<1x16xi32, #tpu.memory_space<hbm>>
    %dma_start3A_11 = tpu.memref_squeeze %dma_start3A_10 : memref<1x16xi32, #tpu.memory_space<hbm>> -> memref<16xi32, #tpu.memory_space<hbm>>
    tpu.enqueue_dma source(%dma_start3A_11 : memref<16xi32, #tpu.memory_space<hbm>>) target(%arg6 : memref<16xi32, #tpu.memory_space<vmem>>) target_semaphore(%arg19 : memref<!tpu.dma_semaphore, #tpu.memory_space<semaphore_mem>>)
    %add3A_12 = arith.constant 0 : i32
    %add3A_13 = arith.addi %mul3A_4, %add3A_12 : i32
    %dma_wait3A = arith.constant 0 : i32
    %dma_wait3A_14 = tpu.memref_slice %arg2[%add3A_13, %dma_wait3A] : memref<16384x16xi32, #tpu.memory_space<hbm>> -> memref<1x16xi32, #tpu.memory_space<hbm>>
    %dma_wait3A_15 = tpu.memref_squeeze %dma_wait3A_14 : memref<1x16xi32, #tpu.memory_space<hbm>> -> memref<16xi32, #tpu.memory_space<hbm>>
    %dma_wait3A_16 = arith.constant 0 : i32
    %dma_wait3A_17 = tpu.memref_slice %arg2[%add3A_13, %dma_wait3A_16] : memref<16384x16xi32, #tpu.memory_space<hbm>> -> memref<1x16xi32, #tpu.memory_space<hbm>>
    %dma_wait3A_18 = tpu.memref_squeeze %dma_wait3A_17 : memref<1x16xi32, #tpu.memory_space<hbm>> -> memref<16xi32, #tpu.memory_space<hbm>>
    tpu.wait_dma2 semaphore(%arg19 : memref<!tpu.dma_semaphore, #tpu.memory_space<semaphore_mem>>) src(%dma_wait3A_18 : memref<16xi32, #tpu.memory_space<hbm>>) dst(%arg6 : memref<16xi32, #tpu.memory_space<vmem>>)
    %dma_start3A_19 = arith.constant 0 : i32
    %dma_start3A_20 = arith.constant 0 : i32
    %dma_start3A_21 = tpu.memref_slice %arg3[%dma_start3A_19, %dma_start3A_20] : memref<256000x768xf32, #tpu.memory_space<hbm>> -> memref<256000x768xf32, #tpu.memory_space<hbm>>
    tpu.enqueue_indirect_dma source(%dma_start3A_21 : memref<256000x768xf32, #tpu.memory_space<hbm>>) target(%arg10 : memref<16x768xf32, #tpu.memory_space<vmem>>) offsets(%arg6 : memref<16xi32, #tpu.memory_space<vmem>>) semaphore(%arg15 : memref<!tpu.dma_semaphore, #tpu.memory_space<semaphore_mem>>)
    %add3A_22 = arith.constant 1 : i32
    %add3A_23 = arith.addi %mul3A_4, %add3A_22 : i32
    %dma_start3A_24 = arith.constant 0 : i32
    %dma_start3A_25 = tpu.memref_slice %arg2[%add3A_23, %dma_start3A_24] : memref<16384x16xi32, #tpu.memory_space<hbm>> -> memref<1x16xi32, #tpu.memory_space<hbm>>
    %dma_start3A_26 = tpu.memref_squeeze %dma_start3A_25 : memref<1x16xi32, #tpu.memory_space<hbm>> -> memref<16xi32, #tpu.memory_space<hbm>>
    %dma_start3A_27 = arith.constant 0 : i32
    %dma_start3A_28 = tpu.memref_slice %arg2[%add3A_23, %dma_start3A_27] : memref<16384x16xi32, #tpu.memory_space<hbm>> -> memref<1x16xi32, #tpu.memory_space<hbm>>
    %dma_start3A_29 = tpu.memref_squeeze %dma_start3A_28 : memref<1x16xi32, #tpu.memory_space<hbm>> -> memref<16xi32, #tpu.memory_space<hbm>>
    tpu.enqueue_dma source(%dma_start3A_29 : memref<16xi32, #tpu.memory_space<hbm>>) target(%arg7 : memref<16xi32, #tpu.memory_space<vmem>>) target_semaphore(%arg20 : memref<!tpu.dma_semaphore, #tpu.memory_space<semaphore_mem>>)
    %add3A_30 = arith.constant 1 : i32
    %add3A_31 = arith.addi %mul3A_4, %add3A_30 : i32
    %dma_wait3A_32 = arith.constant 0 : i32
    %dma_wait3A_33 = tpu.memref_slice %arg2[%add3A_31, %dma_wait3A_32] : memref<16384x16xi32, #tpu.memory_space<hbm>> -> memref<1x16xi32, #tpu.memory_space<hbm>>
    %dma_wait3A_34 = tpu.memref_squeeze %dma_wait3A_33 : memref<1x16xi32, #tpu.memory_space<hbm>> -> memref<16xi32, #tpu.memory_space<hbm>>
    %dma_wait3A_35 = arith.constant 0 : i32
    %dma_wait3A_36 = tpu.memref_slice %arg2[%add3A_31, %dma_wait3A_35] : memref<16384x16xi32, #tpu.memory_space<hbm>> -> memref<1x16xi32, #tpu.memory_space<hbm>>
    %dma_wait3A_37 = tpu.memref_squeeze %dma_wait3A_36 : memref<1x16xi32, #tpu.memory_space<hbm>> -> memref<16xi32, #tpu.memory_space<hbm>>
    tpu.wait_dma2 semaphore(%arg20 : memref<!tpu.dma_semaphore, #tpu.memory_space<semaphore_mem>>) src(%dma_wait3A_37 : memref<16xi32, #tpu.memory_space<hbm>>) dst(%arg7 : memref<16xi32, #tpu.memory_space<vmem>>)
    %dma_start3A_38 = arith.constant 0 : i32
    %dma_start3A_39 = arith.constant 0 : i32
    %dma_start3A_40 = tpu.memref_slice %arg3[%dma_start3A_38, %dma_start3A_39] : memref<256000x768xf32, #tpu.memory_space<hbm>> -> memref<256000x768xf32, #tpu.memory_space<hbm>>
    tpu.enqueue_indirect_dma source(%dma_start3A_40 : memref<256000x768xf32, #tpu.memory_space<hbm>>) target(%arg11 : memref<16x768xf32, #tpu.memory_space<vmem>>) offsets(%arg7 : memref<16xi32, #tpu.memory_space<vmem>>) semaphore(%arg16 : memref<!tpu.dma_semaphore, #tpu.memory_space<semaphore_mem>>)
    %add3A_41 = arith.constant 2 : i32
    %add3A_42 = arith.addi %mul3A_4, %add3A_41 : i32
    %dma_start3A_43 = arith.constant 0 : i32
    %dma_start3A_44 = tpu.memref_slice %arg2[%add3A_42, %dma_start3A_43] : memref<16384x16xi32, #tpu.memory_space<hbm>> -> memref<1x16xi32, #tpu.memory_space<hbm>>
    %dma_start3A_45 = tpu.memref_squeeze %dma_start3A_44 : memref<1x16xi32, #tpu.memory_space<hbm>> -> memref<16xi32, #tpu.memory_space<hbm>>
    %dma_start3A_46 = arith.constant 0 : i32
    %dma_start3A_47 = tpu.memref_slice %arg2[%add3A_42, %dma_start3A_46] : memref<16384x16xi32, #tpu.memory_space<hbm>> -> memref<1x16xi32, #tpu.memory_space<hbm>>
    %dma_start3A_48 = tpu.memref_squeeze %dma_start3A_47 : memref<1x16xi32, #tpu.memory_space<hbm>> -> memref<16xi32, #tpu.memory_space<hbm>>
    tpu.enqueue_dma source(%dma_start3A_48 : memref<16xi32, #tpu.memory_space<hbm>>) target(%arg8 : memref<16xi32, #tpu.memory_space<vmem>>) target_semaphore(%arg21 : memref<!tpu.dma_semaphore, #tpu.memory_space<semaphore_mem>>)
    %add3A_49 = arith.constant 2 : i32
    %add3A_50 = arith.addi %mul3A_4, %add3A_49 : i32
    %dma_wait3A_51 = arith.constant 0 : i32
    %dma_wait3A_52 = tpu.memref_slice %arg2[%add3A_50, %dma_wait3A_51] : memref<16384x16xi32, #tpu.memory_space<hbm>> -> memref<1x16xi32, #tpu.memory_space<hbm>>
    %dma_wait3A_53 = tpu.memref_squeeze %dma_wait3A_52 : memref<1x16xi32, #tpu.memory_space<hbm>> -> memref<16xi32, #tpu.memory_space<hbm>>
    %dma_wait3A_54 = arith.constant 0 : i32
    %dma_wait3A_55 = tpu.memref_slice %arg2[%add3A_50, %dma_wait3A_54] : memref<16384x16xi32, #tpu.memory_space<hbm>> -> memref<1x16xi32, #tpu.memory_space<hbm>>
    %dma_wait3A_56 = tpu.memref_squeeze %dma_wait3A_55 : memref<1x16xi32, #tpu.memory_space<hbm>> -> memref<16xi32, #tpu.memory_space<hbm>>
    tpu.wait_dma2 semaphore(%arg21 : memref<!tpu.dma_semaphore, #tpu.memory_space<semaphore_mem>>) src(%dma_wait3A_56 : memref<16xi32, #tpu.memory_space<hbm>>) dst(%arg8 : memref<16xi32, #tpu.memory_space<vmem>>)
    %dma_start3A_57 = arith.constant 0 : i32
    %dma_start3A_58 = arith.constant 0 : i32
    %dma_start3A_59 = tpu.memref_slice %arg3[%dma_start3A_57, %dma_start3A_58] : memref<256000x768xf32, #tpu.memory_space<hbm>> -> memref<256000x768xf32, #tpu.memory_space<hbm>>
    tpu.enqueue_indirect_dma source(%dma_start3A_59 : memref<256000x768xf32, #tpu.memory_space<hbm>>) target(%arg12 : memref<16x768xf32, #tpu.memory_space<vmem>>) offsets(%arg8 : memref<16xi32, #tpu.memory_space<vmem>>) semaphore(%arg17 : memref<!tpu.dma_semaphore, #tpu.memory_space<semaphore_mem>>)
    %add3A_60 = arith.constant 3 : i32
    %add3A_61 = arith.addi %mul3A_4, %add3A_60 : i32
    %dma_start3A_62 = arith.constant 0 : i32
    %dma_start3A_63 = tpu.memref_slice %arg2[%add3A_61, %dma_start3A_62] : memref<16384x16xi32, #tpu.memory_space<hbm>> -> memref<1x16xi32, #tpu.memory_space<hbm>>
    %dma_start3A_64 = tpu.memref_squeeze %dma_start3A_63 : memref<1x16xi32, #tpu.memory_space<hbm>> -> memref<16xi32, #tpu.memory_space<hbm>>
    %dma_start3A_65 = arith.constant 0 : i32
    %dma_start3A_66 = tpu.memref_slice %arg2[%add3A_61, %dma_start3A_65] : memref<16384x16xi32, #tpu.memory_space<hbm>> -> memref<1x16xi32, #tpu.memory_space<hbm>>
    %dma_start3A_67 = tpu.memref_squeeze %dma_start3A_66 : memref<1x16xi32, #tpu.memory_space<hbm>> -> memref<16xi32, #tpu.memory_space<hbm>>
    tpu.enqueue_dma source(%dma_start3A_67 : memref<16xi32, #tpu.memory_space<hbm>>) target(%arg9 : memref<16xi32, #tpu.memory_space<vmem>>) target_semaphore(%arg22 : memref<!tpu.dma_semaphore, #tpu.memory_space<semaphore_mem>>)
    %scan3A = arith.constant 0 : i32
    %scan3A_68 = arith.constant 0 : i32
    %scan3A_69 = arith.constant 128 : i32
    %scan3A_70 = arith.addi %scan3A_68, %scan3A_69 : i32
    %scan3A_71 = arith.constant 1 : i32
    scf.for %scan3A_83 = %scan3A_68 to %scan3A_70 step %scan3A_71  : i32 {
      %mul3A_84 = arith.constant 4 : i32
      %mul3A_85 = arith.muli %mul3A_84, %scan3A_83 : i32
      %add3A_86 = arith.constant 0 : i32
      %add3A_87 = arith.addi %mul3A_85, %add3A_86 : i32
      %dma_wait3A_88 = arith.constant 0 : i32
      %dma_wait3A_89 = arith.constant 0 : i32
      %dma_wait3A_90 = tpu.memref_slice %arg3[%dma_wait3A_88, %dma_wait3A_89] : memref<256000x768xf32, #tpu.memory_space<hbm>> -> memref<256000x768xf32, #tpu.memory_space<hbm>>
      tpu.wait_indirect_dma semaphore(%arg15 : memref<!tpu.dma_semaphore, #tpu.memory_space<semaphore_mem>>) src(%dma_wait3A_90 : memref<256000x768xf32, #tpu.memory_space<hbm>>) dst(%arg10 : memref<16x768xf32, #tpu.memory_space<vmem>>)
      %add3A_91 = arith.constant 4 : i32
      %add3A_92 = arith.addi %add3A_87, %add3A_91 : i32
      %lt3A = arith.constant 512 : i32
      %lt3A_93 = arith.cmpi slt, %add3A_92, %lt3A : i32
      %convert_element_type3A = arith.extui %lt3A_93 : i1 to i32
      %cond3A = arith.constant 0 : i32
      %cond3A_94 = arith.cmpi ne, %convert_element_type3A, %cond3A : i32
      scf.if %cond3A_94 {
        %add3A_633 = arith.constant 4 : i32
        %add3A_634 = arith.addi %add3A_87, %add3A_633 : i32
        %add3A_635 = arith.addi %mul3A_4, %add3A_634 : i32
        %dma_start3A_636 = arith.constant 0 : i32
        %dma_start3A_637 = tpu.memref_slice %arg2[%add3A_635, %dma_start3A_636] : memref<16384x16xi32, #tpu.memory_space<hbm>> -> memref<1x16xi32, #tpu.memory_space<hbm>>
        %dma_start3A_638 = tpu.memref_squeeze %dma_start3A_637 : memref<1x16xi32, #tpu.memory_space<hbm>> -> memref<16xi32, #tpu.memory_space<hbm>>
        %dma_start3A_639 = arith.constant 0 : i32
        %dma_start3A_640 = tpu.memref_slice %arg2[%add3A_635, %dma_start3A_639] : memref<16384x16xi32, #tpu.memory_space<hbm>> -> memref<1x16xi32, #tpu.memory_space<hbm>>
        %dma_start3A_641 = tpu.memref_squeeze %dma_start3A_640 : memref<1x16xi32, #tpu.memory_space<hbm>> -> memref<16xi32, #tpu.memory_space<hbm>>
        tpu.enqueue_dma source(%dma_start3A_641 : memref<16xi32, #tpu.memory_space<hbm>>) target(%arg6 : memref<16xi32, #tpu.memory_space<vmem>>) target_semaphore(%arg19 : memref<!tpu.dma_semaphore, #tpu.memory_space<semaphore_mem>>)
      } else {
      }
      %jit3A = arith.constant 256 : i32
      %div3A = arith.divsi %add3A_87, %jit3A : i32
      %sign3A = arith.constant 0 : i32
      %sign3A_95 = arith.cmpi sgt, %add3A_87, %sign3A : i32
      %sign3A_96 = arith.extui %sign3A_95 : i1 to i32
      %sign3A_97 = arith.constant 0 : i32
      %sign3A_98 = arith.cmpi slt, %add3A_87, %sign3A_97 : i32
      %sign3A_99 = arith.extui %sign3A_98 : i1 to i32
      %sign3A_100 = arith.subi %sign3A_96, %sign3A_99 : i32
      %sign3A_101 = arith.constant 0 : i32
      %sign3A_102 = arith.cmpi sgt, %jit3A, %sign3A_101 : i32
      %sign3A_103 = arith.extui %sign3A_102 : i1 to i32
      %sign3A_104 = arith.constant 0 : i32
      %sign3A_105 = arith.cmpi slt, %jit3A, %sign3A_104 : i32
      %sign3A_106 = arith.extui %sign3A_105 : i1 to i32
      %sign3A_107 = arith.subi %sign3A_103, %sign3A_106 : i32
      %ne3A = arith.cmpi ne, %sign3A_100, %sign3A_107 : i32
      %rem3A = arith.remsi %add3A_87, %jit3A : i32
      %ne3A_108 = arith.constant 0 : i32
      %ne3A_109 = arith.cmpi ne, %rem3A, %ne3A_108 : i32
      %and3A = arith.andi %ne3A, %ne3A_109 : i1
      %sub3A = arith.constant 1 : i32
      %sub3A_110 = arith.subi %div3A, %sub3A : i32
      %select_n3A = arith.select %and3A, %sub3A_110, %div3A : i32
      %add3A_111 = arith.addi %mul3A_2, %select_n3A : i32
      %scan3A_112 = arith.constant 0 : i32
      %scan3A_113 = arith.constant 0 : i32
      %scan3A_114 = arith.constant 48 : i32
      %scan3A_115 = arith.addi %scan3A_113, %scan3A_114 : i32
      %scan3A_116 = arith.constant 1 : i32
      scf.for %scan3A_633 = %scan3A_113 to %scan3A_115 step %scan3A_116  : i32 {
        %mul3A_634 = arith.constant 16 : i32
        %mul3A_635 = arith.muli %scan3A_633, %mul3A_634 : i32
        %get3A = arith.index_cast %add3A_111 : i32 to index
        %get3A_636 = arith.index_cast %mul3A_635 : i32 to index
        %get3A_637 = tpu.vector_load %arg14[%get3A, %get3A_636] {strides = array<i32>} : memref<64x768xf32, #tpu.memory_space<vmem>>, vector<1x16xf32>,
        %get3A_638 = vector.shape_cast %get3A_637 : vector<1x16xf32> to vector<16xf32>
        %swap3A = arith.constant 0 : i32
        %swap3A_639 = arith.index_cast %swap3A : i32 to index
        %swap3A_640 = arith.index_cast %mul3A_635 : i32 to index
        %swap3A_641 = tpu.vector_load %arg10[%swap3A_639, %swap3A_640] {strides = array<i32>} : memref<16x768xf32, #tpu.memory_space<vmem>>, vector<1x16xf32>,
        %swap3A_642 = vector.shape_cast %swap3A_641 : vector<1x16xf32> to vector<16xf32>
        %swap3A_643 = vector.shape_cast %get3A_638 : vector<16xf32> to vector<1x16xf32>
        tpu.vector_store %arg10[%swap3A_639, %swap3A_640], %swap3A_643 {add = true, strides = array<i32>} : memref<16x768xf32, #tpu.memory_space<vmem>>, vector<1x16xf32>,
        %swap3A_644 = arith.constant 1 : i32
        %swap3A_645 = arith.index_cast %swap3A_644 : i32 to index
        %swap3A_646 = arith.index_cast %mul3A_635 : i32 to index
        %swap3A_647 = tpu.vector_load %arg10[%swap3A_645, %swap3A_646] {strides = array<i32>} : memref<16x768xf32, #tpu.memory_space<vmem>>, vector<1x16xf32>,
        %swap3A_648 = vector.shape_cast %swap3A_647 : vector<1x16xf32> to vector<16xf32>
        %swap3A_649 = vector.shape_cast %get3A_638 : vector<16xf32> to vector<1x16xf32>
        tpu.vector_store %arg10[%swap3A_645, %swap3A_646], %swap3A_649 {add = true, strides = array<i32>} : memref<16x768xf32, #tpu.memory_space<vmem>>, vector<1x16xf32>,
        %swap3A_650 = arith.constant 2 : i32
        %swap3A_651 = arith.index_cast %swap3A_650 : i32 to index
        %swap3A_652 = arith.index_cast %mul3A_635 : i32 to index
        %swap3A_653 = tpu.vector_load %arg10[%swap3A_651, %swap3A_652] {strides = array<i32>} : memref<16x768xf32, #tpu.memory_space<vmem>>, vector<1x16xf32>,
        %swap3A_654 = vector.shape_cast %swap3A_653 : vector<1x16xf32> to vector<16xf32>
        %swap3A_655 = vector.shape_cast %get3A_638 : vector<16xf32> to vector<1x16xf32>
        tpu.vector_store %arg10[%swap3A_651, %swap3A_652], %swap3A_655 {add = true, strides = array<i32>} : memref<16x768xf32, #tpu.memory_space<vmem>>, vector<1x16xf32>,
        %swap3A_656 = arith.constant 3 : i32
        %swap3A_657 = arith.index_cast %swap3A_656 : i32 to index
        %swap3A_658 = arith.index_cast %mul3A_635 : i32 to index
        %swap3A_659 = tpu.vector_load %arg10[%swap3A_657, %swap3A_658] {strides = array<i32>} : memref<16x768xf32, #tpu.memory_space<vmem>>, vector<1x16xf32>,
        %swap3A_660 = vector.shape_cast %swap3A_659 : vector<1x16xf32> to vector<16xf32>
        %swap3A_661 = vector.shape_cast %get3A_638 : vector<16xf32> to vector<1x16xf32>
        tpu.vector_store %arg10[%swap3A_657, %swap3A_658], %swap3A_661 {add = true, strides = array<i32>} : memref<16x768xf32, #tpu.memory_space<vmem>>, vector<1x16xf32>,
        %swap3A_662 = arith.constant 4 : i32
        %swap3A_663 = arith.index_cast %swap3A_662 : i32 to index
        %swap3A_664 = arith.index_cast %mul3A_635 : i32 to index
        %swap3A_665 = tpu.vector_load %arg10[%swap3A_663, %swap3A_664] {strides = array<i32>} : memref<16x768xf32, #tpu.memory_space<vmem>>, vector<1x16xf32>,
        %swap3A_666 = vector.shape_cast %swap3A_665 : vector<1x16xf32> to vector<16xf32>
        %swap3A_667 = vector.shape_cast %get3A_638 : vector<16xf32> to vector<1x16xf32>
        tpu.vector_store %arg10[%swap3A_663, %swap3A_664], %swap3A_667 {add = true, strides = array<i32>} : memref<16x768xf32, #tpu.memory_space<vmem>>, vector<1x16xf32>,
        %swap3A_668 = arith.constant 5 : i32
        %swap3A_669 = arith.index_cast %swap3A_668 : i32 to index
        %swap3A_670 = arith.index_cast %mul3A_635 : i32 to index
        %swap3A_671 = tpu.vector_load %arg10[%swap3A_669, %swap3A_670] {strides = array<i32>} : memref<16x768xf32, #tpu.memory_space<vmem>>, vector<1x16xf32>,
        %swap3A_672 = vector.shape_cast %swap3A_671 : vector<1x16xf32> to vector<16xf32>
        %swap3A_673 = vector.shape_cast %get3A_638 : vector<16xf32> to vector<1x16xf32>
        tpu.vector_store %arg10[%swap3A_669, %swap3A_670], %swap3A_673 {add = true, strides = array<i32>} : memref<16x768xf32, #tpu.memory_space<vmem>>, vector<1x16xf32>,
        %swap3A_674 = arith.constant 6 : i32
        %swap3A_675 = arith.index_cast %swap3A_674 : i32 to index
        %swap3A_676 = arith.index_cast %mul3A_635 : i32 to index
        %swap3A_677 = tpu.vector_load %arg10[%swap3A_675, %swap3A_676] {strides = array<i32>} : memref<16x768xf32, #tpu.memory_space<vmem>>, vector<1x16xf32>,
        %swap3A_678 = vector.shape_cast %swap3A_677 : vector<1x16xf32> to vector<16xf32>
        %swap3A_679 = vector.shape_cast %get3A_638 : vector<16xf32> to vector<1x16xf32>
        tpu.vector_store %arg10[%swap3A_675, %swap3A_676], %swap3A_679 {add = true, strides = array<i32>} : memref<16x768xf32, #tpu.memory_space<vmem>>, vector<1x16xf32>,
        %swap3A_680 = arith.constant 7 : i32
        %swap3A_681 = arith.index_cast %swap3A_680 : i32 to index
        %swap3A_682 = arith.index_cast %mul3A_635 : i32 to index
        %swap3A_683 = tpu.vector_load %arg10[%swap3A_681, %swap3A_682] {strides = array<i32>} : memref<16x768xf32, #tpu.memory_space<vmem>>, vector<1x16xf32>,
        %swap3A_684 = vector.shape_cast %swap3A_683 : vector<1x16xf32> to vector<16xf32>
        %swap3A_685 = vector.shape_cast %get3A_638 : vector<16xf32> to vector<1x16xf32>
        tpu.vector_store %arg10[%swap3A_681, %swap3A_682], %swap3A_685 {add = true, strides = array<i32>} : memref<16x768xf32, #tpu.memory_space<vmem>>, vector<1x16xf32>,
        %swap3A_686 = arith.constant 8 : i32
        %swap3A_687 = arith.index_cast %swap3A_686 : i32 to index
        %swap3A_688 = arith.index_cast %mul3A_635 : i32 to index
        %swap3A_689 = tpu.vector_load %arg10[%swap3A_687, %swap3A_688] {strides = array<i32>} : memref<16x768xf32, #tpu.memory_space<vmem>>, vector<1x16xf32>,
        %swap3A_690 = vector.shape_cast %swap3A_689 : vector<1x16xf32> to vector<16xf32>
        %swap3A_691 = vector.shape_cast %get3A_638 : vector<16xf32> to vector<1x16xf32>
        tpu.vector_store %arg10[%swap3A_687, %swap3A_688], %swap3A_691 {add = true, strides = array<i32>} : memref<16x768xf32, #tpu.memory_space<vmem>>, vector<1x16xf32>,
        %swap3A_692 = arith.constant 9 : i32
        %swap3A_693 = arith.index_cast %swap3A_692 : i32 to index
        %swap3A_694 = arith.index_cast %mul3A_635 : i32 to index
        %swap3A_695 = tpu.vector_load %arg10[%swap3A_693, %swap3A_694] {strides = array<i32>} : memref<16x768xf32, #tpu.memory_space<vmem>>, vector<1x16xf32>,
        %swap3A_696 = vector.shape_cast %swap3A_695 : vector<1x16xf32> to vector<16xf32>
        %swap3A_697 = vector.shape_cast %get3A_638 : vector<16xf32> to vector<1x16xf32>
        tpu.vector_store %arg10[%swap3A_693, %swap3A_694], %swap3A_697 {add = true, strides = array<i32>} : memref<16x768xf32, #tpu.memory_space<vmem>>, vector<1x16xf32>,
        %swap3A_698 = arith.constant 10 : i32
        %swap3A_699 = arith.index_cast %swap3A_698 : i32 to index
        %swap3A_700 = arith.index_cast %mul3A_635 : i32 to index
        %swap3A_701 = tpu.vector_load %arg10[%swap3A_699, %swap3A_700] {strides = array<i32>} : memref<16x768xf32, #tpu.memory_space<vmem>>, vector<1x16xf32>,
        %swap3A_702 = vector.shape_cast %swap3A_701 : vector<1x16xf32> to vector<16xf32>
        %swap3A_703 = vector.shape_cast %get3A_638 : vector<16xf32> to vector<1x16xf32>
        tpu.vector_store %arg10[%swap3A_699, %swap3A_700], %swap3A_703 {add = true, strides = array<i32>} : memref<16x768xf32, #tpu.memory_space<vmem>>, vector<1x16xf32>,
        %swap3A_704 = arith.constant 11 : i32
        %swap3A_705 = arith.index_cast %swap3A_704 : i32 to index
        %swap3A_706 = arith.index_cast %mul3A_635 : i32 to index
        %swap3A_707 = tpu.vector_load %arg10[%swap3A_705, %swap3A_706] {strides = array<i32>} : memref<16x768xf32, #tpu.memory_space<vmem>>, vector<1x16xf32>,
        %swap3A_708 = vector.shape_cast %swap3A_707 : vector<1x16xf32> to vector<16xf32>
        %swap3A_709 = vector.shape_cast %get3A_638 : vector<16xf32> to vector<1x16xf32>
        tpu.vector_store %arg10[%swap3A_705, %swap3A_706], %swap3A_709 {add = true, strides = array<i32>} : memref<16x768xf32, #tpu.memory_space<vmem>>, vector<1x16xf32>,
        %swap3A_710 = arith.constant 12 : i32
        %swap3A_711 = arith.index_cast %swap3A_710 : i32 to index
        %swap3A_712 = arith.index_cast %mul3A_635 : i32 to index
        %swap3A_713 = tpu.vector_load %arg10[%swap3A_711, %swap3A_712] {strides = array<i32>} : memref<16x768xf32, #tpu.memory_space<vmem>>, vector<1x16xf32>,
        %swap3A_714 = vector.shape_cast %swap3A_713 : vector<1x16xf32> to vector<16xf32>
        %swap3A_715 = vector.shape_cast %get3A_638 : vector<16xf32> to vector<1x16xf32>
        tpu.vector_store %arg10[%swap3A_711, %swap3A_712], %swap3A_715 {add = true, strides = array<i32>} : memref<16x768xf32, #tpu.memory_space<vmem>>, vector<1x16xf32>,
        %swap3A_716 = arith.constant 13 : i32
        %swap3A_717 = arith.index_cast %swap3A_716 : i32 to index
        %swap3A_718 = arith.index_cast %mul3A_635 : i32 to index
        %swap3A_719 = tpu.vector_load %arg10[%swap3A_717, %swap3A_718] {strides = array<i32>} : memref<16x768xf32, #tpu.memory_space<vmem>>, vector<1x16xf32>,
        %swap3A_720 = vector.shape_cast %swap3A_719 : vector<1x16xf32> to vector<16xf32>
        %swap3A_721 = vector.shape_cast %get3A_638 : vector<16xf32> to vector<1x16xf32>
        tpu.vector_store %arg10[%swap3A_717, %swap3A_718], %swap3A_721 {add = true, strides = array<i32>} : memref<16x768xf32, #tpu.memory_space<vmem>>, vector<1x16xf32>,
        %swap3A_722 = arith.constant 14 : i32
        %swap3A_723 = arith.index_cast %swap3A_722 : i32 to index
        %swap3A_724 = arith.index_cast %mul3A_635 : i32 to index
        %swap3A_725 = tpu.vector_load %arg10[%swap3A_723, %swap3A_724] {strides = array<i32>} : memref<16x768xf32, #tpu.memory_space<vmem>>, vector<1x16xf32>,
        %swap3A_726 = vector.shape_cast %swap3A_725 : vector<1x16xf32> to vector<16xf32>
        %swap3A_727 = vector.shape_cast %get3A_638 : vector<16xf32> to vector<1x16xf32>
        tpu.vector_store %arg10[%swap3A_723, %swap3A_724], %swap3A_727 {add = true, strides = array<i32>} : memref<16x768xf32, #tpu.memory_space<vmem>>, vector<1x16xf32>,
        %swap3A_728 = arith.constant 15 : i32
        %swap3A_729 = arith.index_cast %swap3A_728 : i32 to index
        %swap3A_730 = arith.index_cast %mul3A_635 : i32 to index
        %swap3A_731 = tpu.vector_load %arg10[%swap3A_729, %swap3A_730] {strides = array<i32>} : memref<16x768xf32, #tpu.memory_space<vmem>>, vector<1x16xf32>,
        %swap3A_732 = vector.shape_cast %swap3A_731 : vector<1x16xf32> to vector<16xf32>
        %swap3A_733 = vector.shape_cast %get3A_638 : vector<16xf32> to vector<1x16xf32>
        tpu.vector_store %arg10[%swap3A_729, %swap3A_730], %swap3A_733 {add = true, strides = array<i32>} : memref<16x768xf32, #tpu.memory_space<vmem>>, vector<1x16xf32>,
      }
      %scan3A_117 = arith.constant 48 : i32
      %jit3A_118 = arith.constant 256 : i32
      %div3A_119 = arith.divsi %add3A_87, %jit3A_118 : i32
      %sign3A_120 = arith.constant 0 : i32
      %sign3A_121 = arith.cmpi sgt, %add3A_87, %sign3A_120 : i32
      %sign3A_122 = arith.extui %sign3A_121 : i1 to i32
      %sign3A_123 = arith.constant 0 : i32
      %sign3A_124 = arith.cmpi slt, %add3A_87, %sign3A_123 : i32
      %sign3A_125 = arith.extui %sign3A_124 : i1 to i32
      %sign3A_126 = arith.subi %sign3A_122, %sign3A_125 : i32
      %sign3A_127 = arith.constant 0 : i32
      %sign3A_128 = arith.cmpi sgt, %jit3A_118, %sign3A_127 : i32
      %sign3A_129 = arith.extui %sign3A_128 : i1 to i32
      %sign3A_130 = arith.constant 0 : i32
      %sign3A_131 = arith.cmpi slt, %jit3A_118, %sign3A_130 : i32
      %sign3A_132 = arith.extui %sign3A_131 : i1 to i32
      %sign3A_133 = arith.subi %sign3A_129, %sign3A_132 : i32
      %ne3A_134 = arith.cmpi ne, %sign3A_126, %sign3A_133 : i32
      %rem3A_135 = arith.remsi %add3A_87, %jit3A_118 : i32
      %ne3A_136 = arith.constant 0 : i32
      %ne3A_137 = arith.cmpi ne, %rem3A_135, %ne3A_136 : i32
      %and3A_138 = arith.andi %ne3A_134, %ne3A_137 : i1
      %sub3A_139 = arith.constant 1 : i32
      %sub3A_140 = arith.subi %div3A_119, %sub3A_139 : i32
      %select_n3A_141 = arith.select %and3A_138, %sub3A_140, %div3A_119 : i32
      %add3A_142 = arith.addi %mul3A_2, %select_n3A_141 : i32
      %jit3A_143 = arith.constant 256 : i32
      %eq3A = arith.constant 0 : i32
      %eq3A_144 = arith.cmpi eq, %jit3A_143, %eq3A : i32
      %jit3A_145 = arith.constant 1 : i32
      %select_n3A_146 = arith.select %eq3A_144, %jit3A_145, %jit3A_143 : i32
      %rem3A_147 = arith.remsi %add3A_87, %select_n3A_146 : i32
      %ne3A_148 = arith.constant 0 : i32
      %ne3A_149 = arith.cmpi ne, %rem3A_147, %ne3A_148 : i32
      %lt3A_150 = arith.constant 0 : i32
      %lt3A_151 = arith.cmpi slt, %rem3A_147, %lt3A_150 : i32
      %lt3A_152 = arith.constant 0 : i32
      %lt3A_153 = arith.cmpi slt, %select_n3A_146, %lt3A_152 : i32
      %ne3A_154 = arith.xori %lt3A_151, %lt3A_153 : i1
      %and3A_155 = arith.andi %ne3A_154, %ne3A_149 : i1
      %add3A_156 = arith.addi %rem3A_147, %select_n3A_146 : i32
      %select_n3A_157 = arith.select %and3A_155, %add3A_156, %rem3A_147 : i32
      %mul3A_158 = arith.constant 16 : i32
      %mul3A_159 = arith.muli %select_n3A_157, %mul3A_158 : i32
      %dma_start3A_160 = arith.constant 0 : i32
      %dma_start3A_161 = tpu.memref_slice %arg5[%mul3A_159, %add3A_142, %dma_start3A_160] : memref<4096x64x768xf32, #tpu.memory_space<hbm>> -> memref<16x1x768xf32, #tpu.memory_space<hbm>>
      %dma_start3A_162 = tpu.memref_squeeze %dma_start3A_161 : memref<16x1x768xf32, #tpu.memory_space<hbm>> -> memref<16x768xf32, #tpu.memory_space<hbm>>
      %dma_start3A_163 = arith.constant 0 : i32
      %dma_start3A_164 = tpu.memref_slice %arg5[%mul3A_159, %add3A_142, %dma_start3A_163] : memref<4096x64x768xf32, #tpu.memory_space<hbm>> -> memref<16x1x768xf32, #tpu.memory_space<hbm>>
      %dma_start3A_165 = tpu.memref_squeeze %dma_start3A_164 : memref<16x1x768xf32, #tpu.memory_space<hbm>> -> memref<16x768xf32, #tpu.memory_space<hbm>>
      tpu.enqueue_dma source(%arg10 : memref<16x768xf32, #tpu.memory_space<vmem>>) target(%dma_start3A_165 : memref<16x768xf32, #tpu.memory_space<hbm>>) target_semaphore(%arg23 : memref<!tpu.dma_semaphore, #tpu.memory_space<semaphore_mem>>)
      %ge3A = arith.constant 1 : i32
      %ge3A_166 = arith.cmpi sge, %scan3A_83, %ge3A : i32
      %convert_element_type3A_167 = arith.extui %ge3A_166 : i1 to i32
      %cond3A_168 = arith.constant 0 : i32
      %cond3A_169 = arith.cmpi ne, %convert_element_type3A_167, %cond3A_168 : i32
      scf.if %cond3A_169 {
        %sub3A_633 = arith.constant 1 : i32
        %sub3A_634 = arith.subi %add3A_87, %sub3A_633 : i32
        %jit3A_635 = arith.constant 256 : i32
        %div3A_636 = arith.divsi %sub3A_634, %jit3A_635 : i32
        %sign3A_637 = arith.constant 0 : i32
        %sign3A_638 = arith.cmpi sgt, %sub3A_634, %sign3A_637 : i32
        %sign3A_639 = arith.extui %sign3A_638 : i1 to i32
        %sign3A_640 = arith.constant 0 : i32
        %sign3A_641 = arith.cmpi slt, %sub3A_634, %sign3A_640 : i32
        %sign3A_642 = arith.extui %sign3A_641 : i1 to i32
        %sign3A_643 = arith.subi %sign3A_639, %sign3A_642 : i32
        %sign3A_644 = arith.constant 0 : i32
        %sign3A_645 = arith.cmpi sgt, %jit3A_635, %sign3A_644 : i32
        %sign3A_646 = arith.extui %sign3A_645 : i1 to i32
        %sign3A_647 = arith.constant 0 : i32
        %sign3A_648 = arith.cmpi slt, %jit3A_635, %sign3A_647 : i32
        %sign3A_649 = arith.extui %sign3A_648 : i1 to i32
        %sign3A_650 = arith.subi %sign3A_646, %sign3A_649 : i32
        %ne3A_651 = arith.cmpi ne, %sign3A_643, %sign3A_650 : i32
        %rem3A_652 = arith.remsi %sub3A_634, %jit3A_635 : i32
        %ne3A_653 = arith.constant 0 : i32
        %ne3A_654 = arith.cmpi ne, %rem3A_652, %ne3A_653 : i32
        %and3A_655 = arith.andi %ne3A_651, %ne3A_654 : i1
        %sub3A_656 = arith.constant 1 : i32
        %sub3A_657 = arith.subi %div3A_636, %sub3A_656 : i32
        %select_n3A_658 = arith.select %and3A_655, %sub3A_657, %div3A_636 : i32
        %add3A_659 = arith.addi %mul3A_2, %select_n3A_658 : i32
        %jit3A_660 = arith.constant 256 : i32
        %eq3A_661 = arith.constant 0 : i32
        %eq3A_662 = arith.cmpi eq, %jit3A_660, %eq3A_661 : i32
        %jit3A_663 = arith.constant 1 : i32
        %select_n3A_664 = arith.select %eq3A_662, %jit3A_663, %jit3A_660 : i32
        %rem3A_665 = arith.remsi %sub3A_634, %select_n3A_664 : i32
        %ne3A_666 = arith.constant 0 : i32
        %ne3A_667 = arith.cmpi ne, %rem3A_665, %ne3A_666 : i32
        %lt3A_668 = arith.constant 0 : i32
        %lt3A_669 = arith.cmpi slt, %rem3A_665, %lt3A_668 : i32
        %lt3A_670 = arith.constant 0 : i32
        %lt3A_671 = arith.cmpi slt, %select_n3A_664, %lt3A_670 : i32
        %ne3A_672 = arith.xori %lt3A_669, %lt3A_671 : i1
        %and3A_673 = arith.andi %ne3A_672, %ne3A_667 : i1
        %add3A_674 = arith.addi %rem3A_665, %select_n3A_664 : i32
        %select_n3A_675 = arith.select %and3A_673, %add3A_674, %rem3A_665 : i32
        %mul3A_676 = arith.constant 16 : i32
        %mul3A_677 = arith.muli %select_n3A_675, %mul3A_676 : i32
        %dma_wait3A_678 = arith.constant 0 : i32
        %dma_wait3A_679 = tpu.memref_slice %arg5[%mul3A_677, %add3A_659, %dma_wait3A_678] : memref<4096x64x768xf32, #tpu.memory_space<hbm>> -> memref<16x1x768xf32, #tpu.memory_space<hbm>>
        %dma_wait3A_680 = tpu.memref_squeeze %dma_wait3A_679 : memref<16x1x768xf32, #tpu.memory_space<hbm>> -> memref<16x768xf32, #tpu.memory_space<hbm>>
        %dma_wait3A_681 = arith.constant 0 : i32
        %dma_wait3A_682 = tpu.memref_slice %arg5[%mul3A_677, %add3A_659, %dma_wait3A_681] : memref<4096x64x768xf32, #tpu.memory_space<hbm>> -> memref<16x1x768xf32, #tpu.memory_space<hbm>>
        %dma_wait3A_683 = tpu.memref_squeeze %dma_wait3A_682 : memref<16x1x768xf32, #tpu.memory_space<hbm>> -> memref<16x768xf32, #tpu.memory_space<hbm>>
        tpu.wait_dma2 semaphore(%arg26 : memref<!tpu.dma_semaphore, #tpu.memory_space<semaphore_mem>>) src(%arg13 : memref<16x768xf32, #tpu.memory_space<vmem>>) dst(%dma_wait3A_683 : memref<16x768xf32, #tpu.memory_space<hbm>>)
      } else {
      }
      %add3A_170 = arith.constant 3 : i32
      %add3A_171 = arith.addi %add3A_87, %add3A_170 : i32
      %lt3A_172 = arith.constant 512 : i32
      %lt3A_173 = arith.cmpi slt, %add3A_171, %lt3A_172 : i32
      %convert_element_type3A_174 = arith.extui %lt3A_173 : i1 to i32
      %cond3A_175 = arith.constant 0 : i32
      %cond3A_176 = arith.cmpi ne, %convert_element_type3A_174, %cond3A_175 : i32
      scf.if %cond3A_176 {
        %add3A_633 = arith.constant 3 : i32
        %add3A_634 = arith.addi %add3A_87, %add3A_633 : i32
        %add3A_635 = arith.addi %mul3A_4, %add3A_634 : i32
        %dma_wait3A_636 = arith.constant 0 : i32
        %dma_wait3A_637 = tpu.memref_slice %arg2[%add3A_635, %dma_wait3A_636] : memref<16384x16xi32, #tpu.memory_space<hbm>> -> memref<1x16xi32, #tpu.memory_space<hbm>>
        %dma_wait3A_638 = tpu.memref_squeeze %dma_wait3A_637 : memref<1x16xi32, #tpu.memory_space<hbm>> -> memref<16xi32, #tpu.memory_space<hbm>>
        %dma_wait3A_639 = arith.constant 0 : i32
        %dma_wait3A_640 = tpu.memref_slice %arg2[%add3A_635, %dma_wait3A_639] : memref<16384x16xi32, #tpu.memory_space<hbm>> -> memref<1x16xi32, #tpu.memory_space<hbm>>
        %dma_wait3A_641 = tpu.memref_squeeze %dma_wait3A_640 : memref<1x16xi32, #tpu.memory_space<hbm>> -> memref<16xi32, #tpu.memory_space<hbm>>
        tpu.wait_dma2 semaphore(%arg22 : memref<!tpu.dma_semaphore, #tpu.memory_space<semaphore_mem>>) src(%dma_wait3A_641 : memref<16xi32, #tpu.memory_space<hbm>>) dst(%arg9 : memref<16xi32, #tpu.memory_space<vmem>>)
        %dma_start3A_642 = arith.constant 0 : i32
        %dma_start3A_643 = arith.constant 0 : i32
        %dma_start3A_644 = tpu.memref_slice %arg3[%dma_start3A_642, %dma_start3A_643] : memref<256000x768xf32, #tpu.memory_space<hbm>> -> memref<256000x768xf32, #tpu.memory_space<hbm>>
        tpu.enqueue_indirect_dma source(%dma_start3A_644 : memref<256000x768xf32, #tpu.memory_space<hbm>>) target(%arg13 : memref<16x768xf32, #tpu.memory_space<vmem>>) offsets(%arg9 : memref<16xi32, #tpu.memory_space<vmem>>) semaphore(%arg18 : memref<!tpu.dma_semaphore, #tpu.memory_space<semaphore_mem>>)
      } else {
      }
      %mul3A_177 = arith.constant 4 : i32
      %mul3A_178 = arith.muli %mul3A_177, %scan3A_83 : i32
      %add3A_179 = arith.constant 1 : i32
      %add3A_180 = arith.addi %mul3A_178, %add3A_179 : i32
      %dma_wait3A_181 = arith.constant 0 : i32
      %dma_wait3A_182 = arith.constant 0 : i32
      %dma_wait3A_183 = tpu.memref_slice %arg3[%dma_wait3A_181, %dma_wait3A_182] : memref<256000x768xf32, #tpu.memory_space<hbm>> -> memref<256000x768xf32, #tpu.memory_space<hbm>>
      tpu.wait_indirect_dma semaphore(%arg16 : memref<!tpu.dma_semaphore, #tpu.memory_space<semaphore_mem>>) src(%dma_wait3A_183 : memref<256000x768xf32, #tpu.memory_space<hbm>>) dst(%arg11 : memref<16x768xf32, #tpu.memory_space<vmem>>)
      %add3A_184 = arith.constant 4 : i32
      %add3A_185 = arith.addi %add3A_180, %add3A_184 : i32
      %lt3A_186 = arith.constant 512 : i32
      %lt3A_187 = arith.cmpi slt, %add3A_185, %lt3A_186 : i32
      %convert_element_type3A_188 = arith.extui %lt3A_187 : i1 to i32
      %cond3A_189 = arith.constant 0 : i32
      %cond3A_190 = arith.cmpi ne, %convert_element_type3A_188, %cond3A_189 : i32
      scf.if %cond3A_190 {
        %add3A_633 = arith.constant 4 : i32
        %add3A_634 = arith.addi %add3A_180, %add3A_633 : i32
        %add3A_635 = arith.addi %mul3A_4, %add3A_634 : i32
        %dma_start3A_636 = arith.constant 0 : i32
        %dma_start3A_637 = tpu.memref_slice %arg2[%add3A_635, %dma_start3A_636] : memref<16384x16xi32, #tpu.memory_space<hbm>> -> memref<1x16xi32, #tpu.memory_space<hbm>>
        %dma_start3A_638 = tpu.memref_squeeze %dma_start3A_637 : memref<1x16xi32, #tpu.memory_space<hbm>> -> memref<16xi32, #tpu.memory_space<hbm>>
        %dma_start3A_639 = arith.constant 0 : i32
        %dma_start3A_640 = tpu.memref_slice %arg2[%add3A_635, %dma_start3A_639] : memref<16384x16xi32, #tpu.memory_space<hbm>> -> memref<1x16xi32, #tpu.memory_space<hbm>>
        %dma_start3A_641 = tpu.memref_squeeze %dma_start3A_640 : memref<1x16xi32, #tpu.memory_space<hbm>> -> memref<16xi32, #tpu.memory_space<hbm>>
        tpu.enqueue_dma source(%dma_start3A_641 : memref<16xi32, #tpu.memory_space<hbm>>) target(%arg7 : memref<16xi32, #tpu.memory_space<vmem>>) target_semaphore(%arg20 : memref<!tpu.dma_semaphore, #tpu.memory_space<semaphore_mem>>)
      } else {
      }
      %jit3A_191 = arith.constant 256 : i32
      %div3A_192 = arith.divsi %add3A_180, %jit3A_191 : i32
      %sign3A_193 = arith.constant 0 : i32
      %sign3A_194 = arith.cmpi sgt, %add3A_180, %sign3A_193 : i32
      %sign3A_195 = arith.extui %sign3A_194 : i1 to i32
      %sign3A_196 = arith.constant 0 : i32
      %sign3A_197 = arith.cmpi slt, %add3A_180, %sign3A_196 : i32
      %sign3A_198 = arith.extui %sign3A_197 : i1 to i32
      %sign3A_199 = arith.subi %sign3A_195, %sign3A_198 : i32
      %sign3A_200 = arith.constant 0 : i32
      %sign3A_201 = arith.cmpi sgt, %jit3A_191, %sign3A_200 : i32
      %sign3A_202 = arith.extui %sign3A_201 : i1 to i32
      %sign3A_203 = arith.constant 0 : i32
      %sign3A_204 = arith.cmpi slt, %jit3A_191, %sign3A_203 : i32
      %sign3A_205 = arith.extui %sign3A_204 : i1 to i32
      %sign3A_206 = arith.subi %sign3A_202, %sign3A_205 : i32
      %ne3A_207 = arith.cmpi ne, %sign3A_199, %sign3A_206 : i32
      %rem3A_208 = arith.remsi %add3A_180, %jit3A_191 : i32
      %ne3A_209 = arith.constant 0 : i32
      %ne3A_210 = arith.cmpi ne, %rem3A_208, %ne3A_209 : i32
      %and3A_211 = arith.andi %ne3A_207, %ne3A_210 : i1
      %sub3A_212 = arith.constant 1 : i32
      %sub3A_213 = arith.subi %div3A_192, %sub3A_212 : i32
      %select_n3A_214 = arith.select %and3A_211, %sub3A_213, %div3A_192 : i32
      %add3A_215 = arith.addi %mul3A_2, %select_n3A_214 : i32
      %scan3A_216 = arith.constant 0 : i32
      %scan3A_217 = arith.constant 0 : i32
      %scan3A_218 = arith.constant 48 : i32
      %scan3A_219 = arith.addi %scan3A_217, %scan3A_218 : i32
      %scan3A_220 = arith.constant 1 : i32
      scf.for %scan3A_633 = %scan3A_217 to %scan3A_219 step %scan3A_220  : i32 {
        %mul3A_634 = arith.constant 16 : i32
        %mul3A_635 = arith.muli %scan3A_633, %mul3A_634 : i32
        %get3A = arith.index_cast %add3A_215 : i32 to index
        %get3A_636 = arith.index_cast %mul3A_635 : i32 to index
        %get3A_637 = tpu.vector_load %arg14[%get3A, %get3A_636] {strides = array<i32>} : memref<64x768xf32, #tpu.memory_space<vmem>>, vector<1x16xf32>,
        %get3A_638 = vector.shape_cast %get3A_637 : vector<1x16xf32> to vector<16xf32>
        %swap3A = arith.constant 0 : i32
        %swap3A_639 = arith.index_cast %swap3A : i32 to index
        %swap3A_640 = arith.index_cast %mul3A_635 : i32 to index
        %swap3A_641 = tpu.vector_load %arg11[%swap3A_639, %swap3A_640] {strides = array<i32>} : memref<16x768xf32, #tpu.memory_space<vmem>>, vector<1x16xf32>,
        %swap3A_642 = vector.shape_cast %swap3A_641 : vector<1x16xf32> to vector<16xf32>
        %swap3A_643 = vector.shape_cast %get3A_638 : vector<16xf32> to vector<1x16xf32>
        tpu.vector_store %arg11[%swap3A_639, %swap3A_640], %swap3A_643 {add = true, strides = array<i32>} : memref<16x768xf32, #tpu.memory_space<vmem>>, vector<1x16xf32>,
        %swap3A_644 = arith.constant 1 : i32
        %swap3A_645 = arith.index_cast %swap3A_644 : i32 to index
        %swap3A_646 = arith.index_cast %mul3A_635 : i32 to index
        %swap3A_647 = tpu.vector_load %arg11[%swap3A_645, %swap3A_646] {strides = array<i32>} : memref<16x768xf32, #tpu.memory_space<vmem>>, vector<1x16xf32>,
        %swap3A_648 = vector.shape_cast %swap3A_647 : vector<1x16xf32> to vector<16xf32>
        %swap3A_649 = vector.shape_cast %get3A_638 : vector<16xf32> to vector<1x16xf32>
        tpu.vector_store %arg11[%swap3A_645, %swap3A_646], %swap3A_649 {add = true, strides = array<i32>} : memref<16x768xf32, #tpu.memory_space<vmem>>, vector<1x16xf32>,
        %swap3A_650 = arith.constant 2 : i32
        %swap3A_651 = arith.index_cast %swap3A_650 : i32 to index
        %swap3A_652 = arith.index_cast %mul3A_635 : i32 to index
        %swap3A_653 = tpu.vector_load %arg11[%swap3A_651, %swap3A_652] {strides = array<i32>} : memref<16x768xf32, #tpu.memory_space<vmem>>, vector<1x16xf32>,
        %swap3A_654 = vector.shape_cast %swap3A_653 : vector<1x16xf32> to vector<16xf32>
        %swap3A_655 = vector.shape_cast %get3A_638 : vector<16xf32> to vector<1x16xf32>
        tpu.vector_store %arg11[%swap3A_651, %swap3A_652], %swap3A_655 {add = true, strides = array<i32>} : memref<16x768xf32, #tpu.memory_space<vmem>>, vector<1x16xf32>,
        %swap3A_656 = arith.constant 3 : i32
        %swap3A_657 = arith.index_cast %swap3A_656 : i32 to index
        %swap3A_658 = arith.index_cast %mul3A_635 : i32 to index
        %swap3A_659 = tpu.vector_load %arg11[%swap3A_657, %swap3A_658] {strides = array<i32>} : memref<16x768xf32, #tpu.memory_space<vmem>>, vector<1x16xf32>,
        %swap3A_660 = vector.shape_cast %swap3A_659 : vector<1x16xf32> to vector<16xf32>
        %swap3A_661 = vector.shape_cast %get3A_638 : vector<16xf32> to vector<1x16xf32>
        tpu.vector_store %arg11[%swap3A_657, %swap3A_658], %swap3A_661 {add = true, strides = array<i32>} : memref<16x768xf32, #tpu.memory_space<vmem>>, vector<1x16xf32>,
        %swap3A_662 = arith.constant 4 : i32
        %swap3A_663 = arith.index_cast %swap3A_662 : i32 to index
        %swap3A_664 = arith.index_cast %mul3A_635 : i32 to index
        %swap3A_665 = tpu.vector_load %arg11[%swap3A_663, %swap3A_664] {strides = array<i32>} : memref<16x768xf32, #tpu.memory_space<vmem>>, vector<1x16xf32>,
        %swap3A_666 = vector.shape_cast %swap3A_665 : vector<1x16xf32> to vector<16xf32>
        %swap3A_667 = vector.shape_cast %get3A_638 : vector<16xf32> to vector<1x16xf32>
        tpu.vector_store %arg11[%swap3A_663, %swap3A_664], %swap3A_667 {add = true, strides = array<i32>} : memref<16x768xf32, #tpu.memory_space<vmem>>, vector<1x16xf32>,
        %swap3A_668 = arith.constant 5 : i32
        %swap3A_669 = arith.index_cast %swap3A_668 : i32 to index
        %swap3A_670 = arith.index_cast %mul3A_635 : i32 to index
        %swap3A_671 = tpu.vector_load %arg11[%swap3A_669, %swap3A_670] {strides = array<i32>} : memref<16x768xf32, #tpu.memory_space<vmem>>, vector<1x16xf32>,
        %swap3A_672 = vector.shape_cast %swap3A_671 : vector<1x16xf32> to vector<16xf32>
        %swap3A_673 = vector.shape_cast %get3A_638 : vector<16xf32> to vector<1x16xf32>
        tpu.vector_store %arg11[%swap3A_669, %swap3A_670], %swap3A_673 {add = true, strides = array<i32>} : memref<16x768xf32, #tpu.memory_space<vmem>>, vector<1x16xf32>,
        %swap3A_674 = arith.constant 6 : i32
        %swap3A_675 = arith.index_cast %swap3A_674 : i32 to index
        %swap3A_676 = arith.index_cast %mul3A_635 : i32 to index
        %swap3A_677 = tpu.vector_load %arg11[%swap3A_675, %swap3A_676] {strides = array<i32>} : memref<16x768xf32, #tpu.memory_space<vmem>>, vector<1x16xf32>,
        %swap3A_678 = vector.shape_cast %swap3A_677 : vector<1x16xf32> to vector<16xf32>
        %swap3A_679 = vector.shape_cast %get3A_638 : vector<16xf32> to vector<1x16xf32>
        tpu.vector_store %arg11[%swap3A_675, %swap3A_676], %swap3A_679 {add = true, strides = array<i32>} : memref<16x768xf32, #tpu.memory_space<vmem>>, vector<1x16xf32>,
        %swap3A_680 = arith.constant 7 : i32
        %swap3A_681 = arith.index_cast %swap3A_680 : i32 to index
        %swap3A_682 = arith.index_cast %mul3A_635 : i32 to index
        %swap3A_683 = tpu.vector_load %arg11[%swap3A_681, %swap3A_682] {strides = array<i32>} : memref<16x768xf32, #tpu.memory_space<vmem>>, vector<1x16xf32>,
        %swap3A_684 = vector.shape_cast %swap3A_683 : vector<1x16xf32> to vector<16xf32>
        %swap3A_685 = vector.shape_cast %get3A_638 : vector<16xf32> to vector<1x16xf32>
        tpu.vector_store %arg11[%swap3A_681, %swap3A_682], %swap3A_685 {add = true, strides = array<i32>} : memref<16x768xf32, #tpu.memory_space<vmem>>, vector<1x16xf32>,
        %swap3A_686 = arith.constant 8 : i32
        %swap3A_687 = arith.index_cast %swap3A_686 : i32 to index
        %swap3A_688 = arith.index_cast %mul3A_635 : i32 to index
        %swap3A_689 = tpu.vector_load %arg11[%swap3A_687, %swap3A_688] {strides = array<i32>} : memref<16x768xf32, #tpu.memory_space<vmem>>, vector<1x16xf32>,
        %swap3A_690 = vector.shape_cast %swap3A_689 : vector<1x16xf32> to vector<16xf32>
        %swap3A_691 = vector.shape_cast %get3A_638 : vector<16xf32> to vector<1x16xf32>
        tpu.vector_store %arg11[%swap3A_687, %swap3A_688], %swap3A_691 {add = true, strides = array<i32>} : memref<16x768xf32, #tpu.memory_space<vmem>>, vector<1x16xf32>,
        %swap3A_692 = arith.constant 9 : i32
        %swap3A_693 = arith.index_cast %swap3A_692 : i32 to index
        %swap3A_694 = arith.index_cast %mul3A_635 : i32 to index
        %swap3A_695 = tpu.vector_load %arg11[%swap3A_693, %swap3A_694] {strides = array<i32>} : memref<16x768xf32, #tpu.memory_space<vmem>>, vector<1x16xf32>,
        %swap3A_696 = vector.shape_cast %swap3A_695 : vector<1x16xf32> to vector<16xf32>
        %swap3A_697 = vector.shape_cast %get3A_638 : vector<16xf32> to vector<1x16xf32>
        tpu.vector_store %arg11[%swap3A_693, %swap3A_694], %swap3A_697 {add = true, strides = array<i32>} : memref<16x768xf32, #tpu.memory_space<vmem>>, vector<1x16xf32>,
        %swap3A_698 = arith.constant 10 : i32
        %swap3A_699 = arith.index_cast %swap3A_698 : i32 to index
        %swap3A_700 = arith.index_cast %mul3A_635 : i32 to index
        %swap3A_701 = tpu.vector_load %arg11[%swap3A_699, %swap3A_700] {strides = array<i32>} : memref<16x768xf32, #tpu.memory_space<vmem>>, vector<1x16xf32>,
        %swap3A_702 = vector.shape_cast %swap3A_701 : vector<1x16xf32> to vector<16xf32>
        %swap3A_703 = vector.shape_cast %get3A_638 : vector<16xf32> to vector<1x16xf32>
        tpu.vector_store %arg11[%swap3A_699, %swap3A_700], %swap3A_703 {add = true, strides = array<i32>} : memref<16x768xf32, #tpu.memory_space<vmem>>, vector<1x16xf32>,
        %swap3A_704 = arith.constant 11 : i32
        %swap3A_705 = arith.index_cast %swap3A_704 : i32 to index
        %swap3A_706 = arith.index_cast %mul3A_635 : i32 to index
        %swap3A_707 = tpu.vector_load %arg11[%swap3A_705, %swap3A_706] {strides = array<i32>} : memref<16x768xf32, #tpu.memory_space<vmem>>, vector<1x16xf32>,
        %swap3A_708 = vector.shape_cast %swap3A_707 : vector<1x16xf32> to vector<16xf32>
        %swap3A_709 = vector.shape_cast %get3A_638 : vector<16xf32> to vector<1x16xf32>
        tpu.vector_store %arg11[%swap3A_705, %swap3A_706], %swap3A_709 {add = true, strides = array<i32>} : memref<16x768xf32, #tpu.memory_space<vmem>>, vector<1x16xf32>,
        %swap3A_710 = arith.constant 12 : i32
        %swap3A_711 = arith.index_cast %swap3A_710 : i32 to index
        %swap3A_712 = arith.index_cast %mul3A_635 : i32 to index
        %swap3A_713 = tpu.vector_load %arg11[%swap3A_711, %swap3A_712] {strides = array<i32>} : memref<16x768xf32, #tpu.memory_space<vmem>>, vector<1x16xf32>,
        %swap3A_714 = vector.shape_cast %swap3A_713 : vector<1x16xf32> to vector<16xf32>
        %swap3A_715 = vector.shape_cast %get3A_638 : vector<16xf32> to vector<1x16xf32>
        tpu.vector_store %arg11[%swap3A_711, %swap3A_712], %swap3A_715 {add = true, strides = array<i32>} : memref<16x768xf32, #tpu.memory_space<vmem>>, vector<1x16xf32>,
        %swap3A_716 = arith.constant 13 : i32
        %swap3A_717 = arith.index_cast %swap3A_716 : i32 to index
        %swap3A_718 = arith.index_cast %mul3A_635 : i32 to index
        %swap3A_719 = tpu.vector_load %arg11[%swap3A_717, %swap3A_718] {strides = array<i32>} : memref<16x768xf32, #tpu.memory_space<vmem>>, vector<1x16xf32>,
        %swap3A_720 = vector.shape_cast %swap3A_719 : vector<1x16xf32> to vector<16xf32>
        %swap3A_721 = vector.shape_cast %get3A_638 : vector<16xf32> to vector<1x16xf32>
        tpu.vector_store %arg11[%swap3A_717, %swap3A_718], %swap3A_721 {add = true, strides = array<i32>} : memref<16x768xf32, #tpu.memory_space<vmem>>, vector<1x16xf32>,
        %swap3A_722 = arith.constant 14 : i32
        %swap3A_723 = arith.index_cast %swap3A_722 : i32 to index
        %swap3A_724 = arith.index_cast %mul3A_635 : i32 to index
        %swap3A_725 = tpu.vector_load %arg11[%swap3A_723, %swap3A_724] {strides = array<i32>} : memref<16x768xf32, #tpu.memory_space<vmem>>, vector<1x16xf32>,
        %swap3A_726 = vector.shape_cast %swap3A_725 : vector<1x16xf32> to vector<16xf32>
        %swap3A_727 = vector.shape_cast %get3A_638 : vector<16xf32> to vector<1x16xf32>
        tpu.vector_store %arg11[%swap3A_723, %swap3A_724], %swap3A_727 {add = true, strides = array<i32>} : memref<16x768xf32, #tpu.memory_space<vmem>>, vector<1x16xf32>,
        %swap3A_728 = arith.constant 15 : i32
        %swap3A_729 = arith.index_cast %swap3A_728 : i32 to index
        %swap3A_730 = arith.index_cast %mul3A_635 : i32 to index
        %swap3A_731 = tpu.vector_load %arg11[%swap3A_729, %swap3A_730] {strides = array<i32>} : memref<16x768xf32, #tpu.memory_space<vmem>>, vector<1x16xf32>,
        %swap3A_732 = vector.shape_cast %swap3A_731 : vector<1x16xf32> to vector<16xf32>
        %swap3A_733 = vector.shape_cast %get3A_638 : vector<16xf32> to vector<1x16xf32>
        tpu.vector_store %arg11[%swap3A_729, %swap3A_730], %swap3A_733 {add = true, strides = array<i32>} : memref<16x768xf32, #tpu.memory_space<vmem>>, vector<1x16xf32>,
      }
      %scan3A_221 = arith.constant 48 : i32
      %jit3A_222 = arith.constant 256 : i32
      %div3A_223 = arith.divsi %add3A_180, %jit3A_222 : i32
      %sign3A_224 = arith.constant 0 : i32
      %sign3A_225 = arith.cmpi sgt, %add3A_180, %sign3A_224 : i32
      %sign3A_226 = arith.extui %sign3A_225 : i1 to i32
      %sign3A_227 = arith.constant 0 : i32
      %sign3A_228 = arith.cmpi slt, %add3A_180, %sign3A_227 : i32
      %sign3A_229 = arith.extui %sign3A_228 : i1 to i32
      %sign3A_230 = arith.subi %sign3A_226, %sign3A_229 : i32
      %sign3A_231 = arith.constant 0 : i32
      %sign3A_232 = arith.cmpi sgt, %jit3A_222, %sign3A_231 : i32
      %sign3A_233 = arith.extui %sign3A_232 : i1 to i32
      %sign3A_234 = arith.constant 0 : i32
      %sign3A_235 = arith.cmpi slt, %jit3A_222, %sign3A_234 : i32
      %sign3A_236 = arith.extui %sign3A_235 : i1 to i32
      %sign3A_237 = arith.subi %sign3A_233, %sign3A_236 : i32
      %ne3A_238 = arith.cmpi ne, %sign3A_230, %sign3A_237 : i32
      %rem3A_239 = arith.remsi %add3A_180, %jit3A_222 : i32
      %ne3A_240 = arith.constant 0 : i32
      %ne3A_241 = arith.cmpi ne, %rem3A_239, %ne3A_240 : i32
      %and3A_242 = arith.andi %ne3A_238, %ne3A_241 : i1
      %sub3A_243 = arith.constant 1 : i32
      %sub3A_244 = arith.subi %div3A_223, %sub3A_243 : i32
      %select_n3A_245 = arith.select %and3A_242, %sub3A_244, %div3A_223 : i32
      %add3A_246 = arith.addi %mul3A_2, %select_n3A_245 : i32
      %jit3A_247 = arith.constant 256 : i32
      %eq3A_248 = arith.constant 0 : i32
      %eq3A_249 = arith.cmpi eq, %jit3A_247, %eq3A_248 : i32
      %jit3A_250 = arith.constant 1 : i32
      %select_n3A_251 = arith.select %eq3A_249, %jit3A_250, %jit3A_247 : i32
      %rem3A_252 = arith.remsi %add3A_180, %select_n3A_251 : i32
      %ne3A_253 = arith.constant 0 : i32
      %ne3A_254 = arith.cmpi ne, %rem3A_252, %ne3A_253 : i32
      %lt3A_255 = arith.constant 0 : i32
      %lt3A_256 = arith.cmpi slt, %rem3A_252, %lt3A_255 : i32
      %lt3A_257 = arith.constant 0 : i32
      %lt3A_258 = arith.cmpi slt, %select_n3A_251, %lt3A_257 : i32
      %ne3A_259 = arith.xori %lt3A_256, %lt3A_258 : i1
      %and3A_260 = arith.andi %ne3A_259, %ne3A_254 : i1
      %add3A_261 = arith.addi %rem3A_252, %select_n3A_251 : i32
      %select_n3A_262 = arith.select %and3A_260, %add3A_261, %rem3A_252 : i32
      %mul3A_263 = arith.constant 16 : i32
      %mul3A_264 = arith.muli %select_n3A_262, %mul3A_263 : i32
      %dma_start3A_265 = arith.constant 0 : i32
      %dma_start3A_266 = tpu.memref_slice %arg5[%mul3A_264, %add3A_246, %dma_start3A_265] : memref<4096x64x768xf32, #tpu.memory_space<hbm>> -> memref<16x1x768xf32, #tpu.memory_space<hbm>>
      %dma_start3A_267 = tpu.memref_squeeze %dma_start3A_266 : memref<16x1x768xf32, #tpu.memory_space<hbm>> -> memref<16x768xf32, #tpu.memory_space<hbm>>
      %dma_start3A_268 = arith.constant 0 : i32
      %dma_start3A_269 = tpu.memref_slice %arg5[%mul3A_264, %add3A_246, %dma_start3A_268] : memref<4096x64x768xf32, #tpu.memory_space<hbm>> -> memref<16x1x768xf32, #tpu.memory_space<hbm>>
      %dma_start3A_270 = tpu.memref_squeeze %dma_start3A_269 : memref<16x1x768xf32, #tpu.memory_space<hbm>> -> memref<16x768xf32, #tpu.memory_space<hbm>>
      tpu.enqueue_dma source(%arg11 : memref<16x768xf32, #tpu.memory_space<vmem>>) target(%dma_start3A_270 : memref<16x768xf32, #tpu.memory_space<hbm>>) target_semaphore(%arg24 : memref<!tpu.dma_semaphore, #tpu.memory_space<semaphore_mem>>)
      %sub3A_271 = arith.constant 1 : i32
      %sub3A_272 = arith.subi %add3A_180, %sub3A_271 : i32
      %jit3A_273 = arith.constant 256 : i32
      %div3A_274 = arith.divsi %sub3A_272, %jit3A_273 : i32
      %sign3A_275 = arith.constant 0 : i32
      %sign3A_276 = arith.cmpi sgt, %sub3A_272, %sign3A_275 : i32
      %sign3A_277 = arith.extui %sign3A_276 : i1 to i32
      %sign3A_278 = arith.constant 0 : i32
      %sign3A_279 = arith.cmpi slt, %sub3A_272, %sign3A_278 : i32
      %sign3A_280 = arith.extui %sign3A_279 : i1 to i32
      %sign3A_281 = arith.subi %sign3A_277, %sign3A_280 : i32
      %sign3A_282 = arith.constant 0 : i32
      %sign3A_283 = arith.cmpi sgt, %jit3A_273, %sign3A_282 : i32
      %sign3A_284 = arith.extui %sign3A_283 : i1 to i32
      %sign3A_285 = arith.constant 0 : i32
      %sign3A_286 = arith.cmpi slt, %jit3A_273, %sign3A_285 : i32
      %sign3A_287 = arith.extui %sign3A_286 : i1 to i32
      %sign3A_288 = arith.subi %sign3A_284, %sign3A_287 : i32
      %ne3A_289 = arith.cmpi ne, %sign3A_281, %sign3A_288 : i32
      %rem3A_290 = arith.remsi %sub3A_272, %jit3A_273 : i32
      %ne3A_291 = arith.constant 0 : i32
      %ne3A_292 = arith.cmpi ne, %rem3A_290, %ne3A_291 : i32
      %and3A_293 = arith.andi %ne3A_289, %ne3A_292 : i1
      %sub3A_294 = arith.constant 1 : i32
      %sub3A_295 = arith.subi %div3A_274, %sub3A_294 : i32
      %select_n3A_296 = arith.select %and3A_293, %sub3A_295, %div3A_274 : i32
      %add3A_297 = arith.addi %mul3A_2, %select_n3A_296 : i32
      %jit3A_298 = arith.constant 256 : i32
      %eq3A_299 = arith.constant 0 : i32
      %eq3A_300 = arith.cmpi eq, %jit3A_298, %eq3A_299 : i32
      %jit3A_301 = arith.constant 1 : i32
      %select_n3A_302 = arith.select %eq3A_300, %jit3A_301, %jit3A_298 : i32
      %rem3A_303 = arith.remsi %sub3A_272, %select_n3A_302 : i32
      %ne3A_304 = arith.constant 0 : i32
      %ne3A_305 = arith.cmpi ne, %rem3A_303, %ne3A_304 : i32
      %lt3A_306 = arith.constant 0 : i32
      %lt3A_307 = arith.cmpi slt, %rem3A_303, %lt3A_306 : i32
      %lt3A_308 = arith.constant 0 : i32
      %lt3A_309 = arith.cmpi slt, %select_n3A_302, %lt3A_308 : i32
      %ne3A_310 = arith.xori %lt3A_307, %lt3A_309 : i1
      %and3A_311 = arith.andi %ne3A_310, %ne3A_305 : i1
      %add3A_312 = arith.addi %rem3A_303, %select_n3A_302 : i32
      %select_n3A_313 = arith.select %and3A_311, %add3A_312, %rem3A_303 : i32
      %mul3A_314 = arith.constant 16 : i32
      %mul3A_315 = arith.muli %select_n3A_313, %mul3A_314 : i32
      %dma_wait3A_316 = arith.constant 0 : i32
      %dma_wait3A_317 = tpu.memref_slice %arg5[%mul3A_315, %add3A_297, %dma_wait3A_316] : memref<4096x64x768xf32, #tpu.memory_space<hbm>> -> memref<16x1x768xf32, #tpu.memory_space<hbm>>
      %dma_wait3A_318 = tpu.memref_squeeze %dma_wait3A_317 : memref<16x1x768xf32, #tpu.memory_space<hbm>> -> memref<16x768xf32, #tpu.memory_space<hbm>>
      %dma_wait3A_319 = arith.constant 0 : i32
      %dma_wait3A_320 = tpu.memref_slice %arg5[%mul3A_315, %add3A_297, %dma_wait3A_319] : memref<4096x64x768xf32, #tpu.memory_space<hbm>> -> memref<16x1x768xf32, #tpu.memory_space<hbm>>
      %dma_wait3A_321 = tpu.memref_squeeze %dma_wait3A_320 : memref<16x1x768xf32, #tpu.memory_space<hbm>> -> memref<16x768xf32, #tpu.memory_space<hbm>>
      tpu.wait_dma2 semaphore(%arg23 : memref<!tpu.dma_semaphore, #tpu.memory_space<semaphore_mem>>) src(%arg10 : memref<16x768xf32, #tpu.memory_space<vmem>>) dst(%dma_wait3A_321 : memref<16x768xf32, #tpu.memory_space<hbm>>)
      %add3A_322 = arith.constant 3 : i32
      %add3A_323 = arith.addi %add3A_180, %add3A_322 : i32
      %lt3A_324 = arith.constant 512 : i32
      %lt3A_325 = arith.cmpi slt, %add3A_323, %lt3A_324 : i32
      %convert_element_type3A_326 = arith.extui %lt3A_325 : i1 to i32
      %cond3A_327 = arith.constant 0 : i32
      %cond3A_328 = arith.cmpi ne, %convert_element_type3A_326, %cond3A_327 : i32
      scf.if %cond3A_328 {
        %add3A_633 = arith.constant 3 : i32
        %add3A_634 = arith.addi %add3A_180, %add3A_633 : i32
        %add3A_635 = arith.addi %mul3A_4, %add3A_634 : i32
        %dma_wait3A_636 = arith.constant 0 : i32
        %dma_wait3A_637 = tpu.memref_slice %arg2[%add3A_635, %dma_wait3A_636] : memref<16384x16xi32, #tpu.memory_space<hbm>> -> memref<1x16xi32, #tpu.memory_space<hbm>>
        %dma_wait3A_638 = tpu.memref_squeeze %dma_wait3A_637 : memref<1x16xi32, #tpu.memory_space<hbm>> -> memref<16xi32, #tpu.memory_space<hbm>>
        %dma_wait3A_639 = arith.constant 0 : i32
        %dma_wait3A_640 = tpu.memref_slice %arg2[%add3A_635, %dma_wait3A_639] : memref<16384x16xi32, #tpu.memory_space<hbm>> -> memref<1x16xi32, #tpu.memory_space<hbm>>
        %dma_wait3A_641 = tpu.memref_squeeze %dma_wait3A_640 : memref<1x16xi32, #tpu.memory_space<hbm>> -> memref<16xi32, #tpu.memory_space<hbm>>
        tpu.wait_dma2 semaphore(%arg19 : memref<!tpu.dma_semaphore, #tpu.memory_space<semaphore_mem>>) src(%dma_wait3A_641 : memref<16xi32, #tpu.memory_space<hbm>>) dst(%arg6 : memref<16xi32, #tpu.memory_space<vmem>>)
        %dma_start3A_642 = arith.constant 0 : i32
        %dma_start3A_643 = arith.constant 0 : i32
        %dma_start3A_644 = tpu.memref_slice %arg3[%dma_start3A_642, %dma_start3A_643] : memref<256000x768xf32, #tpu.memory_space<hbm>> -> memref<256000x768xf32, #tpu.memory_space<hbm>>
        tpu.enqueue_indirect_dma source(%dma_start3A_644 : memref<256000x768xf32, #tpu.memory_space<hbm>>) target(%arg10 : memref<16x768xf32, #tpu.memory_space<vmem>>) offsets(%arg6 : memref<16xi32, #tpu.memory_space<vmem>>) semaphore(%arg15 : memref<!tpu.dma_semaphore, #tpu.memory_space<semaphore_mem>>)
      } else {
      }
      %mul3A_329 = arith.constant 4 : i32
      %mul3A_330 = arith.muli %mul3A_329, %scan3A_83 : i32
      %add3A_331 = arith.constant 2 : i32
      %add3A_332 = arith.addi %mul3A_330, %add3A_331 : i32
      %dma_wait3A_333 = arith.constant 0 : i32
      %dma_wait3A_334 = arith.constant 0 : i32
      %dma_wait3A_335 = tpu.memref_slice %arg3[%dma_wait3A_333, %dma_wait3A_334] : memref<256000x768xf32, #tpu.memory_space<hbm>> -> memref<256000x768xf32, #tpu.memory_space<hbm>>
      tpu.wait_indirect_dma semaphore(%arg17 : memref<!tpu.dma_semaphore, #tpu.memory_space<semaphore_mem>>) src(%dma_wait3A_335 : memref<256000x768xf32, #tpu.memory_space<hbm>>) dst(%arg12 : memref<16x768xf32, #tpu.memory_space<vmem>>)
      %add3A_336 = arith.constant 4 : i32
      %add3A_337 = arith.addi %add3A_332, %add3A_336 : i32
      %lt3A_338 = arith.constant 512 : i32
      %lt3A_339 = arith.cmpi slt, %add3A_337, %lt3A_338 : i32
      %convert_element_type3A_340 = arith.extui %lt3A_339 : i1 to i32
      %cond3A_341 = arith.constant 0 : i32
      %cond3A_342 = arith.cmpi ne, %convert_element_type3A_340, %cond3A_341 : i32
      scf.if %cond3A_342 {
        %add3A_633 = arith.constant 4 : i32
        %add3A_634 = arith.addi %add3A_332, %add3A_633 : i32
        %add3A_635 = arith.addi %mul3A_4, %add3A_634 : i32
        %dma_start3A_636 = arith.constant 0 : i32
        %dma_start3A_637 = tpu.memref_slice %arg2[%add3A_635, %dma_start3A_636] : memref<16384x16xi32, #tpu.memory_space<hbm>> -> memref<1x16xi32, #tpu.memory_space<hbm>>
        %dma_start3A_638 = tpu.memref_squeeze %dma_start3A_637 : memref<1x16xi32, #tpu.memory_space<hbm>> -> memref<16xi32, #tpu.memory_space<hbm>>
        %dma_start3A_639 = arith.constant 0 : i32
        %dma_start3A_640 = tpu.memref_slice %arg2[%add3A_635, %dma_start3A_639] : memref<16384x16xi32, #tpu.memory_space<hbm>> -> memref<1x16xi32, #tpu.memory_space<hbm>>
        %dma_start3A_641 = tpu.memref_squeeze %dma_start3A_640 : memref<1x16xi32, #tpu.memory_space<hbm>> -> memref<16xi32, #tpu.memory_space<hbm>>
        tpu.enqueue_dma source(%dma_start3A_641 : memref<16xi32, #tpu.memory_space<hbm>>) target(%arg8 : memref<16xi32, #tpu.memory_space<vmem>>) target_semaphore(%arg21 : memref<!tpu.dma_semaphore, #tpu.memory_space<semaphore_mem>>)
      } else {
      }
      %jit3A_343 = arith.constant 256 : i32
      %div3A_344 = arith.divsi %add3A_332, %jit3A_343 : i32
      %sign3A_345 = arith.constant 0 : i32
      %sign3A_346 = arith.cmpi sgt, %add3A_332, %sign3A_345 : i32
      %sign3A_347 = arith.extui %sign3A_346 : i1 to i32
      %sign3A_348 = arith.constant 0 : i32
      %sign3A_349 = arith.cmpi slt, %add3A_332, %sign3A_348 : i32
      %sign3A_350 = arith.extui %sign3A_349 : i1 to i32
      %sign3A_351 = arith.subi %sign3A_347, %sign3A_350 : i32
      %sign3A_352 = arith.constant 0 : i32
      %sign3A_353 = arith.cmpi sgt, %jit3A_343, %sign3A_352 : i32
      %sign3A_354 = arith.extui %sign3A_353 : i1 to i32
      %sign3A_355 = arith.constant 0 : i32
      %sign3A_356 = arith.cmpi slt, %jit3A_343, %sign3A_355 : i32
      %sign3A_357 = arith.extui %sign3A_356 : i1 to i32
      %sign3A_358 = arith.subi %sign3A_354, %sign3A_357 : i32
      %ne3A_359 = arith.cmpi ne, %sign3A_351, %sign3A_358 : i32
      %rem3A_360 = arith.remsi %add3A_332, %jit3A_343 : i32
      %ne3A_361 = arith.constant 0 : i32
      %ne3A_362 = arith.cmpi ne, %rem3A_360, %ne3A_361 : i32
      %and3A_363 = arith.andi %ne3A_359, %ne3A_362 : i1
      %sub3A_364 = arith.constant 1 : i32
      %sub3A_365 = arith.subi %div3A_344, %sub3A_364 : i32
      %select_n3A_366 = arith.select %and3A_363, %sub3A_365, %div3A_344 : i32
      %add3A_367 = arith.addi %mul3A_2, %select_n3A_366 : i32
      %scan3A_368 = arith.constant 0 : i32
      %scan3A_369 = arith.constant 0 : i32
      %scan3A_370 = arith.constant 48 : i32
      %scan3A_371 = arith.addi %scan3A_369, %scan3A_370 : i32
      %scan3A_372 = arith.constant 1 : i32
      scf.for %scan3A_633 = %scan3A_369 to %scan3A_371 step %scan3A_372  : i32 {
        %mul3A_634 = arith.constant 16 : i32
        %mul3A_635 = arith.muli %scan3A_633, %mul3A_634 : i32
        %get3A = arith.index_cast %add3A_367 : i32 to index
        %get3A_636 = arith.index_cast %mul3A_635 : i32 to index
        %get3A_637 = tpu.vector_load %arg14[%get3A, %get3A_636] {strides = array<i32>} : memref<64x768xf32, #tpu.memory_space<vmem>>, vector<1x16xf32>,
        %get3A_638 = vector.shape_cast %get3A_637 : vector<1x16xf32> to vector<16xf32>
        %swap3A = arith.constant 0 : i32
        %swap3A_639 = arith.index_cast %swap3A : i32 to index
        %swap3A_640 = arith.index_cast %mul3A_635 : i32 to index
        %swap3A_641 = tpu.vector_load %arg12[%swap3A_639, %swap3A_640] {strides = array<i32>} : memref<16x768xf32, #tpu.memory_space<vmem>>, vector<1x16xf32>,
        %swap3A_642 = vector.shape_cast %swap3A_641 : vector<1x16xf32> to vector<16xf32>
        %swap3A_643 = vector.shape_cast %get3A_638 : vector<16xf32> to vector<1x16xf32>
        tpu.vector_store %arg12[%swap3A_639, %swap3A_640], %swap3A_643 {add = true, strides = array<i32>} : memref<16x768xf32, #tpu.memory_space<vmem>>, vector<1x16xf32>,
        %swap3A_644 = arith.constant 1 : i32
        %swap3A_645 = arith.index_cast %swap3A_644 : i32 to index
        %swap3A_646 = arith.index_cast %mul3A_635 : i32 to index
        %swap3A_647 = tpu.vector_load %arg12[%swap3A_645, %swap3A_646] {strides = array<i32>} : memref<16x768xf32, #tpu.memory_space<vmem>>, vector<1x16xf32>,
        %swap3A_648 = vector.shape_cast %swap3A_647 : vector<1x16xf32> to vector<16xf32>
        %swap3A_649 = vector.shape_cast %get3A_638 : vector<16xf32> to vector<1x16xf32>
        tpu.vector_store %arg12[%swap3A_645, %swap3A_646], %swap3A_649 {add = true, strides = array<i32>} : memref<16x768xf32, #tpu.memory_space<vmem>>, vector<1x16xf32>,
        %swap3A_650 = arith.constant 2 : i32
        %swap3A_651 = arith.index_cast %swap3A_650 : i32 to index
        %swap3A_652 = arith.index_cast %mul3A_635 : i32 to index
        %swap3A_653 = tpu.vector_load %arg12[%swap3A_651, %swap3A_652] {strides = array<i32>} : memref<16x768xf32, #tpu.memory_space<vmem>>, vector<1x16xf32>,
        %swap3A_654 = vector.shape_cast %swap3A_653 : vector<1x16xf32> to vector<16xf32>
        %swap3A_655 = vector.shape_cast %get3A_638 : vector<16xf32> to vector<1x16xf32>
        tpu.vector_store %arg12[%swap3A_651, %swap3A_652], %swap3A_655 {add = true, strides = array<i32>} : memref<16x768xf32, #tpu.memory_space<vmem>>, vector<1x16xf32>,
        %swap3A_656 = arith.constant 3 : i32
        %swap3A_657 = arith.index_cast %swap3A_656 : i32 to index
        %swap3A_658 = arith.index_cast %mul3A_635 : i32 to index
        %swap3A_659 = tpu.vector_load %arg12[%swap3A_657, %swap3A_658] {strides = array<i32>} : memref<16x768xf32, #tpu.memory_space<vmem>>, vector<1x16xf32>,
        %swap3A_660 = vector.shape_cast %swap3A_659 : vector<1x16xf32> to vector<16xf32>
        %swap3A_661 = vector.shape_cast %get3A_638 : vector<16xf32> to vector<1x16xf32>
        tpu.vector_store %arg12[%swap3A_657, %swap3A_658], %swap3A_661 {add = true, strides = array<i32>} : memref<16x768xf32, #tpu.memory_space<vmem>>, vector<1x16xf32>,
        %swap3A_662 = arith.constant 4 : i32
        %swap3A_663 = arith.index_cast %swap3A_662 : i32 to index
        %swap3A_664 = arith.index_cast %mul3A_635 : i32 to index
        %swap3A_665 = tpu.vector_load %arg12[%swap3A_663, %swap3A_664] {strides = array<i32>} : memref<16x768xf32, #tpu.memory_space<vmem>>, vector<1x16xf32>,
        %swap3A_666 = vector.shape_cast %swap3A_665 : vector<1x16xf32> to vector<16xf32>
        %swap3A_667 = vector.shape_cast %get3A_638 : vector<16xf32> to vector<1x16xf32>
        tpu.vector_store %arg12[%swap3A_663, %swap3A_664], %swap3A_667 {add = true, strides = array<i32>} : memref<16x768xf32, #tpu.memory_space<vmem>>, vector<1x16xf32>,
        %swap3A_668 = arith.constant 5 : i32
        %swap3A_669 = arith.index_cast %swap3A_668 : i32 to index
        %swap3A_670 = arith.index_cast %mul3A_635 : i32 to index
        %swap3A_671 = tpu.vector_load %arg12[%swap3A_669, %swap3A_670] {strides = array<i32>} : memref<16x768xf32, #tpu.memory_space<vmem>>, vector<1x16xf32>,
        %swap3A_672 = vector.shape_cast %swap3A_671 : vector<1x16xf32> to vector<16xf32>
        %swap3A_673 = vector.shape_cast %get3A_638 : vector<16xf32> to vector<1x16xf32>
        tpu.vector_store %arg12[%swap3A_669, %swap3A_670], %swap3A_673 {add = true, strides = array<i32>} : memref<16x768xf32, #tpu.memory_space<vmem>>, vector<1x16xf32>,
        %swap3A_674 = arith.constant 6 : i32
        %swap3A_675 = arith.index_cast %swap3A_674 : i32 to index
        %swap3A_676 = arith.index_cast %mul3A_635 : i32 to index
        %swap3A_677 = tpu.vector_load %arg12[%swap3A_675, %swap3A_676] {strides = array<i32>} : memref<16x768xf32, #tpu.memory_space<vmem>>, vector<1x16xf32>,
        %swap3A_678 = vector.shape_cast %swap3A_677 : vector<1x16xf32> to vector<16xf32>
        %swap3A_679 = vector.shape_cast %get3A_638 : vector<16xf32> to vector<1x16xf32>
        tpu.vector_store %arg12[%swap3A_675, %swap3A_676], %swap3A_679 {add = true, strides = array<i32>} : memref<16x768xf32, #tpu.memory_space<vmem>>, vector<1x16xf32>,
        %swap3A_680 = arith.constant 7 : i32
        %swap3A_681 = arith.index_cast %swap3A_680 : i32 to index
        %swap3A_682 = arith.index_cast %mul3A_635 : i32 to index
        %swap3A_683 = tpu.vector_load %arg12[%swap3A_681, %swap3A_682] {strides = array<i32>} : memref<16x768xf32, #tpu.memory_space<vmem>>, vector<1x16xf32>,
        %swap3A_684 = vector.shape_cast %swap3A_683 : vector<1x16xf32> to vector<16xf32>
        %swap3A_685 = vector.shape_cast %get3A_638 : vector<16xf32> to vector<1x16xf32>
        tpu.vector_store %arg12[%swap3A_681, %swap3A_682], %swap3A_685 {add = true, strides = array<i32>} : memref<16x768xf32, #tpu.memory_space<vmem>>, vector<1x16xf32>,
        %swap3A_686 = arith.constant 8 : i32
        %swap3A_687 = arith.index_cast %swap3A_686 : i32 to index
        %swap3A_688 = arith.index_cast %mul3A_635 : i32 to index
        %swap3A_689 = tpu.vector_load %arg12[%swap3A_687, %swap3A_688] {strides = array<i32>} : memref<16x768xf32, #tpu.memory_space<vmem>>, vector<1x16xf32>,
        %swap3A_690 = vector.shape_cast %swap3A_689 : vector<1x16xf32> to vector<16xf32>
        %swap3A_691 = vector.shape_cast %get3A_638 : vector<16xf32> to vector<1x16xf32>
        tpu.vector_store %arg12[%swap3A_687, %swap3A_688], %swap3A_691 {add = true, strides = array<i32>} : memref<16x768xf32, #tpu.memory_space<vmem>>, vector<1x16xf32>,
        %swap3A_692 = arith.constant 9 : i32
        %swap3A_693 = arith.index_cast %swap3A_692 : i32 to index
        %swap3A_694 = arith.index_cast %mul3A_635 : i32 to index
        %swap3A_695 = tpu.vector_load %arg12[%swap3A_693, %swap3A_694] {strides = array<i32>} : memref<16x768xf32, #tpu.memory_space<vmem>>, vector<1x16xf32>,
        %swap3A_696 = vector.shape_cast %swap3A_695 : vector<1x16xf32> to vector<16xf32>
        %swap3A_697 = vector.shape_cast %get3A_638 : vector<16xf32> to vector<1x16xf32>
        tpu.vector_store %arg12[%swap3A_693, %swap3A_694], %swap3A_697 {add = true, strides = array<i32>} : memref<16x768xf32, #tpu.memory_space<vmem>>, vector<1x16xf32>,
        %swap3A_698 = arith.constant 10 : i32
        %swap3A_699 = arith.index_cast %swap3A_698 : i32 to index
        %swap3A_700 = arith.index_cast %mul3A_635 : i32 to index
        %swap3A_701 = tpu.vector_load %arg12[%swap3A_699, %swap3A_700] {strides = array<i32>} : memref<16x768xf32, #tpu.memory_space<vmem>>, vector<1x16xf32>,
        %swap3A_702 = vector.shape_cast %swap3A_701 : vector<1x16xf32> to vector<16xf32>
        %swap3A_703 = vector.shape_cast %get3A_638 : vector<16xf32> to vector<1x16xf32>
        tpu.vector_store %arg12[%swap3A_699, %swap3A_700], %swap3A_703 {add = true, strides = array<i32>} : memref<16x768xf32, #tpu.memory_space<vmem>>, vector<1x16xf32>,
        %swap3A_704 = arith.constant 11 : i32
        %swap3A_705 = arith.index_cast %swap3A_704 : i32 to index
        %swap3A_706 = arith.index_cast %mul3A_635 : i32 to index
        %swap3A_707 = tpu.vector_load %arg12[%swap3A_705, %swap3A_706] {strides = array<i32>} : memref<16x768xf32, #tpu.memory_space<vmem>>, vector<1x16xf32>,
        %swap3A_708 = vector.shape_cast %swap3A_707 : vector<1x16xf32> to vector<16xf32>
        %swap3A_709 = vector.shape_cast %get3A_638 : vector<16xf32> to vector<1x16xf32>
        tpu.vector_store %arg12[%swap3A_705, %swap3A_706], %swap3A_709 {add = true, strides = array<i32>} : memref<16x768xf32, #tpu.memory_space<vmem>>, vector<1x16xf32>,
        %swap3A_710 = arith.constant 12 : i32
        %swap3A_711 = arith.index_cast %swap3A_710 : i32 to index
        %swap3A_712 = arith.index_cast %mul3A_635 : i32 to index
        %swap3A_713 = tpu.vector_load %arg12[%swap3A_711, %swap3A_712] {strides = array<i32>} : memref<16x768xf32, #tpu.memory_space<vmem>>, vector<1x16xf32>,
        %swap3A_714 = vector.shape_cast %swap3A_713 : vector<1x16xf32> to vector<16xf32>
        %swap3A_715 = vector.shape_cast %get3A_638 : vector<16xf32> to vector<1x16xf32>
        tpu.vector_store %arg12[%swap3A_711, %swap3A_712], %swap3A_715 {add = true, strides = array<i32>} : memref<16x768xf32, #tpu.memory_space<vmem>>, vector<1x16xf32>,
        %swap3A_716 = arith.constant 13 : i32
        %swap3A_717 = arith.index_cast %swap3A_716 : i32 to index
        %swap3A_718 = arith.index_cast %mul3A_635 : i32 to index
        %swap3A_719 = tpu.vector_load %arg12[%swap3A_717, %swap3A_718] {strides = array<i32>} : memref<16x768xf32, #tpu.memory_space<vmem>>, vector<1x16xf32>,
        %swap3A_720 = vector.shape_cast %swap3A_719 : vector<1x16xf32> to vector<16xf32>
        %swap3A_721 = vector.shape_cast %get3A_638 : vector<16xf32> to vector<1x16xf32>
        tpu.vector_store %arg12[%swap3A_717, %swap3A_718], %swap3A_721 {add = true, strides = array<i32>} : memref<16x768xf32, #tpu.memory_space<vmem>>, vector<1x16xf32>,
        %swap3A_722 = arith.constant 14 : i32
        %swap3A_723 = arith.index_cast %swap3A_722 : i32 to index
        %swap3A_724 = arith.index_cast %mul3A_635 : i32 to index
        %swap3A_725 = tpu.vector_load %arg12[%swap3A_723, %swap3A_724] {strides = array<i32>} : memref<16x768xf32, #tpu.memory_space<vmem>>, vector<1x16xf32>,
        %swap3A_726 = vector.shape_cast %swap3A_725 : vector<1x16xf32> to vector<16xf32>
        %swap3A_727 = vector.shape_cast %get3A_638 : vector<16xf32> to vector<1x16xf32>
        tpu.vector_store %arg12[%swap3A_723, %swap3A_724], %swap3A_727 {add = true, strides = array<i32>} : memref<16x768xf32, #tpu.memory_space<vmem>>, vector<1x16xf32>,
        %swap3A_728 = arith.constant 15 : i32
        %swap3A_729 = arith.index_cast %swap3A_728 : i32 to index
        %swap3A_730 = arith.index_cast %mul3A_635 : i32 to index
        %swap3A_731 = tpu.vector_load %arg12[%swap3A_729, %swap3A_730] {strides = array<i32>} : memref<16x768xf32, #tpu.memory_space<vmem>>, vector<1x16xf32>,
        %swap3A_732 = vector.shape_cast %swap3A_731 : vector<1x16xf32> to vector<16xf32>
        %swap3A_733 = vector.shape_cast %get3A_638 : vector<16xf32> to vector<1x16xf32>
        tpu.vector_store %arg12[%swap3A_729, %swap3A_730], %swap3A_733 {add = true, strides = array<i32>} : memref<16x768xf32, #tpu.memory_space<vmem>>, vector<1x16xf32>,
      }
      %scan3A_373 = arith.constant 48 : i32
      %jit3A_374 = arith.constant 256 : i32
      %div3A_375 = arith.divsi %add3A_332, %jit3A_374 : i32
      %sign3A_376 = arith.constant 0 : i32
      %sign3A_377 = arith.cmpi sgt, %add3A_332, %sign3A_376 : i32
      %sign3A_378 = arith.extui %sign3A_377 : i1 to i32
      %sign3A_379 = arith.constant 0 : i32
      %sign3A_380 = arith.cmpi slt, %add3A_332, %sign3A_379 : i32
      %sign3A_381 = arith.extui %sign3A_380 : i1 to i32
      %sign3A_382 = arith.subi %sign3A_378, %sign3A_381 : i32
      %sign3A_383 = arith.constant 0 : i32
      %sign3A_384 = arith.cmpi sgt, %jit3A_374, %sign3A_383 : i32
      %sign3A_385 = arith.extui %sign3A_384 : i1 to i32
      %sign3A_386 = arith.constant 0 : i32
      %sign3A_387 = arith.cmpi slt, %jit3A_374, %sign3A_386 : i32
      %sign3A_388 = arith.extui %sign3A_387 : i1 to i32
      %sign3A_389 = arith.subi %sign3A_385, %sign3A_388 : i32
      %ne3A_390 = arith.cmpi ne, %sign3A_382, %sign3A_389 : i32
      %rem3A_391 = arith.remsi %add3A_332, %jit3A_374 : i32
      %ne3A_392 = arith.constant 0 : i32
      %ne3A_393 = arith.cmpi ne, %rem3A_391, %ne3A_392 : i32
      %and3A_394 = arith.andi %ne3A_390, %ne3A_393 : i1
      %sub3A_395 = arith.constant 1 : i32
      %sub3A_396 = arith.subi %div3A_375, %sub3A_395 : i32
      %select_n3A_397 = arith.select %and3A_394, %sub3A_396, %div3A_375 : i32
      %add3A_398 = arith.addi %mul3A_2, %select_n3A_397 : i32
      %jit3A_399 = arith.constant 256 : i32
      %eq3A_400 = arith.constant 0 : i32
      %eq3A_401 = arith.cmpi eq, %jit3A_399, %eq3A_400 : i32
      %jit3A_402 = arith.constant 1 : i32
      %select_n3A_403 = arith.select %eq3A_401, %jit3A_402, %jit3A_399 : i32
      %rem3A_404 = arith.remsi %add3A_332, %select_n3A_403 : i32
      %ne3A_405 = arith.constant 0 : i32
      %ne3A_406 = arith.cmpi ne, %rem3A_404, %ne3A_405 : i32
      %lt3A_407 = arith.constant 0 : i32
      %lt3A_408 = arith.cmpi slt, %rem3A_404, %lt3A_407 : i32
      %lt3A_409 = arith.constant 0 : i32
      %lt3A_410 = arith.cmpi slt, %select_n3A_403, %lt3A_409 : i32
      %ne3A_411 = arith.xori %lt3A_408, %lt3A_410 : i1
      %and3A_412 = arith.andi %ne3A_411, %ne3A_406 : i1
      %add3A_413 = arith.addi %rem3A_404, %select_n3A_403 : i32
      %select_n3A_414 = arith.select %and3A_412, %add3A_413, %rem3A_404 : i32
      %mul3A_415 = arith.constant 16 : i32
      %mul3A_416 = arith.muli %select_n3A_414, %mul3A_415 : i32
      %dma_start3A_417 = arith.constant 0 : i32
      %dma_start3A_418 = tpu.memref_slice %arg5[%mul3A_416, %add3A_398, %dma_start3A_417] : memref<4096x64x768xf32, #tpu.memory_space<hbm>> -> memref<16x1x768xf32, #tpu.memory_space<hbm>>
      %dma_start3A_419 = tpu.memref_squeeze %dma_start3A_418 : memref<16x1x768xf32, #tpu.memory_space<hbm>> -> memref<16x768xf32, #tpu.memory_space<hbm>>
      %dma_start3A_420 = arith.constant 0 : i32
      %dma_start3A_421 = tpu.memref_slice %arg5[%mul3A_416, %add3A_398, %dma_start3A_420] : memref<4096x64x768xf32, #tpu.memory_space<hbm>> -> memref<16x1x768xf32, #tpu.memory_space<hbm>>
      %dma_start3A_422 = tpu.memref_squeeze %dma_start3A_421 : memref<16x1x768xf32, #tpu.memory_space<hbm>> -> memref<16x768xf32, #tpu.memory_space<hbm>>
      tpu.enqueue_dma source(%arg12 : memref<16x768xf32, #tpu.memory_space<vmem>>) target(%dma_start3A_422 : memref<16x768xf32, #tpu.memory_space<hbm>>) target_semaphore(%arg25 : memref<!tpu.dma_semaphore, #tpu.memory_space<semaphore_mem>>)
      %sub3A_423 = arith.constant 1 : i32
      %sub3A_424 = arith.subi %add3A_332, %sub3A_423 : i32
      %jit3A_425 = arith.constant 256 : i32
      %div3A_426 = arith.divsi %sub3A_424, %jit3A_425 : i32
      %sign3A_427 = arith.constant 0 : i32
      %sign3A_428 = arith.cmpi sgt, %sub3A_424, %sign3A_427 : i32
      %sign3A_429 = arith.extui %sign3A_428 : i1 to i32
      %sign3A_430 = arith.constant 0 : i32
      %sign3A_431 = arith.cmpi slt, %sub3A_424, %sign3A_430 : i32
      %sign3A_432 = arith.extui %sign3A_431 : i1 to i32
      %sign3A_433 = arith.subi %sign3A_429, %sign3A_432 : i32
      %sign3A_434 = arith.constant 0 : i32
      %sign3A_435 = arith.cmpi sgt, %jit3A_425, %sign3A_434 : i32
      %sign3A_436 = arith.extui %sign3A_435 : i1 to i32
      %sign3A_437 = arith.constant 0 : i32
      %sign3A_438 = arith.cmpi slt, %jit3A_425, %sign3A_437 : i32
      %sign3A_439 = arith.extui %sign3A_438 : i1 to i32
      %sign3A_440 = arith.subi %sign3A_436, %sign3A_439 : i32
      %ne3A_441 = arith.cmpi ne, %sign3A_433, %sign3A_440 : i32
      %rem3A_442 = arith.remsi %sub3A_424, %jit3A_425 : i32
      %ne3A_443 = arith.constant 0 : i32
      %ne3A_444 = arith.cmpi ne, %rem3A_442, %ne3A_443 : i32
      %and3A_445 = arith.andi %ne3A_441, %ne3A_444 : i1
      %sub3A_446 = arith.constant 1 : i32
      %sub3A_447 = arith.subi %div3A_426, %sub3A_446 : i32
      %select_n3A_448 = arith.select %and3A_445, %sub3A_447, %div3A_426 : i32
      %add3A_449 = arith.addi %mul3A_2, %select_n3A_448 : i32
      %jit3A_450 = arith.constant 256 : i32
      %eq3A_451 = arith.constant 0 : i32
      %eq3A_452 = arith.cmpi eq, %jit3A_450, %eq3A_451 : i32
      %jit3A_453 = arith.constant 1 : i32
      %select_n3A_454 = arith.select %eq3A_452, %jit3A_453, %jit3A_450 : i32
      %rem3A_455 = arith.remsi %sub3A_424, %select_n3A_454 : i32
      %ne3A_456 = arith.constant 0 : i32
      %ne3A_457 = arith.cmpi ne, %rem3A_455, %ne3A_456 : i32
      %lt3A_458 = arith.constant 0 : i32
      %lt3A_459 = arith.cmpi slt, %rem3A_455, %lt3A_458 : i32
      %lt3A_460 = arith.constant 0 : i32
      %lt3A_461 = arith.cmpi slt, %select_n3A_454, %lt3A_460 : i32
      %ne3A_462 = arith.xori %lt3A_459, %lt3A_461 : i1
      %and3A_463 = arith.andi %ne3A_462, %ne3A_457 : i1
      %add3A_464 = arith.addi %rem3A_455, %select_n3A_454 : i32
      %select_n3A_465 = arith.select %and3A_463, %add3A_464, %rem3A_455 : i32
      %mul3A_466 = arith.constant 16 : i32
      %mul3A_467 = arith.muli %select_n3A_465, %mul3A_466 : i32
      %dma_wait3A_468 = arith.constant 0 : i32
      %dma_wait3A_469 = tpu.memref_slice %arg5[%mul3A_467, %add3A_449, %dma_wait3A_468] : memref<4096x64x768xf32, #tpu.memory_space<hbm>> -> memref<16x1x768xf32, #tpu.memory_space<hbm>>
      %dma_wait3A_470 = tpu.memref_squeeze %dma_wait3A_469 : memref<16x1x768xf32, #tpu.memory_space<hbm>> -> memref<16x768xf32, #tpu.memory_space<hbm>>
      %dma_wait3A_471 = arith.constant 0 : i32
      %dma_wait3A_472 = tpu.memref_slice %arg5[%mul3A_467, %add3A_449, %dma_wait3A_471] : memref<4096x64x768xf32, #tpu.memory_space<hbm>> -> memref<16x1x768xf32, #tpu.memory_space<hbm>>
      %dma_wait3A_473 = tpu.memref_squeeze %dma_wait3A_472 : memref<16x1x768xf32, #tpu.memory_space<hbm>> -> memref<16x768xf32, #tpu.memory_space<hbm>>
      tpu.wait_dma2 semaphore(%arg24 : memref<!tpu.dma_semaphore, #tpu.memory_space<semaphore_mem>>) src(%arg11 : memref<16x768xf32, #tpu.memory_space<vmem>>) dst(%dma_wait3A_473 : memref<16x768xf32, #tpu.memory_space<hbm>>)
      %add3A_474 = arith.constant 3 : i32
      %add3A_475 = arith.addi %add3A_332, %add3A_474 : i32
      %lt3A_476 = arith.constant 512 : i32
      %lt3A_477 = arith.cmpi slt, %add3A_475, %lt3A_476 : i32
      %convert_element_type3A_478 = arith.extui %lt3A_477 : i1 to i32
      %cond3A_479 = arith.constant 0 : i32
      %cond3A_480 = arith.cmpi ne, %convert_element_type3A_478, %cond3A_479 : i32
      scf.if %cond3A_480 {
        %add3A_633 = arith.constant 3 : i32
        %add3A_634 = arith.addi %add3A_332, %add3A_633 : i32
        %add3A_635 = arith.addi %mul3A_4, %add3A_634 : i32
        %dma_wait3A_636 = arith.constant 0 : i32
        %dma_wait3A_637 = tpu.memref_slice %arg2[%add3A_635, %dma_wait3A_636] : memref<16384x16xi32, #tpu.memory_space<hbm>> -> memref<1x16xi32, #tpu.memory_space<hbm>>
        %dma_wait3A_638 = tpu.memref_squeeze %dma_wait3A_637 : memref<1x16xi32, #tpu.memory_space<hbm>> -> memref<16xi32, #tpu.memory_space<hbm>>
        %dma_wait3A_639 = arith.constant 0 : i32
        %dma_wait3A_640 = tpu.memref_slice %arg2[%add3A_635, %dma_wait3A_639] : memref<16384x16xi32, #tpu.memory_space<hbm>> -> memref<1x16xi32, #tpu.memory_space<hbm>>
        %dma_wait3A_641 = tpu.memref_squeeze %dma_wait3A_640 : memref<1x16xi32, #tpu.memory_space<hbm>> -> memref<16xi32, #tpu.memory_space<hbm>>
        tpu.wait_dma2 semaphore(%arg20 : memref<!tpu.dma_semaphore, #tpu.memory_space<semaphore_mem>>) src(%dma_wait3A_641 : memref<16xi32, #tpu.memory_space<hbm>>) dst(%arg7 : memref<16xi32, #tpu.memory_space<vmem>>)
        %dma_start3A_642 = arith.constant 0 : i32
        %dma_start3A_643 = arith.constant 0 : i32
        %dma_start3A_644 = tpu.memref_slice %arg3[%dma_start3A_642, %dma_start3A_643] : memref<256000x768xf32, #tpu.memory_space<hbm>> -> memref<256000x768xf32, #tpu.memory_space<hbm>>
        tpu.enqueue_indirect_dma source(%dma_start3A_644 : memref<256000x768xf32, #tpu.memory_space<hbm>>) target(%arg11 : memref<16x768xf32, #tpu.memory_space<vmem>>) offsets(%arg7 : memref<16xi32, #tpu.memory_space<vmem>>) semaphore(%arg16 : memref<!tpu.dma_semaphore, #tpu.memory_space<semaphore_mem>>)
      } else {
      }
      %mul3A_481 = arith.constant 4 : i32
      %mul3A_482 = arith.muli %mul3A_481, %scan3A_83 : i32
      %add3A_483 = arith.constant 3 : i32
      %add3A_484 = arith.addi %mul3A_482, %add3A_483 : i32
      %dma_wait3A_485 = arith.constant 0 : i32
      %dma_wait3A_486 = arith.constant 0 : i32
      %dma_wait3A_487 = tpu.memref_slice %arg3[%dma_wait3A_485, %dma_wait3A_486] : memref<256000x768xf32, #tpu.memory_space<hbm>> -> memref<256000x768xf32, #tpu.memory_space<hbm>>
      tpu.wait_indirect_dma semaphore(%arg18 : memref<!tpu.dma_semaphore, #tpu.memory_space<semaphore_mem>>) src(%dma_wait3A_487 : memref<256000x768xf32, #tpu.memory_space<hbm>>) dst(%arg13 : memref<16x768xf32, #tpu.memory_space<vmem>>)
      %add3A_488 = arith.constant 4 : i32
      %add3A_489 = arith.addi %add3A_484, %add3A_488 : i32
      %lt3A_490 = arith.constant 512 : i32
      %lt3A_491 = arith.cmpi slt, %add3A_489, %lt3A_490 : i32
      %convert_element_type3A_492 = arith.extui %lt3A_491 : i1 to i32
      %cond3A_493 = arith.constant 0 : i32
      %cond3A_494 = arith.cmpi ne, %convert_element_type3A_492, %cond3A_493 : i32
      scf.if %cond3A_494 {
        %add3A_633 = arith.constant 4 : i32
        %add3A_634 = arith.addi %add3A_484, %add3A_633 : i32
        %add3A_635 = arith.addi %mul3A_4, %add3A_634 : i32
        %dma_start3A_636 = arith.constant 0 : i32
        %dma_start3A_637 = tpu.memref_slice %arg2[%add3A_635, %dma_start3A_636] : memref<16384x16xi32, #tpu.memory_space<hbm>> -> memref<1x16xi32, #tpu.memory_space<hbm>>
        %dma_start3A_638 = tpu.memref_squeeze %dma_start3A_637 : memref<1x16xi32, #tpu.memory_space<hbm>> -> memref<16xi32, #tpu.memory_space<hbm>>
        %dma_start3A_639 = arith.constant 0 : i32
        %dma_start3A_640 = tpu.memref_slice %arg2[%add3A_635, %dma_start3A_639] : memref<16384x16xi32, #tpu.memory_space<hbm>> -> memref<1x16xi32, #tpu.memory_space<hbm>>
        %dma_start3A_641 = tpu.memref_squeeze %dma_start3A_640 : memref<1x16xi32, #tpu.memory_space<hbm>> -> memref<16xi32, #tpu.memory_space<hbm>>
        tpu.enqueue_dma source(%dma_start3A_641 : memref<16xi32, #tpu.memory_space<hbm>>) target(%arg9 : memref<16xi32, #tpu.memory_space<vmem>>) target_semaphore(%arg22 : memref<!tpu.dma_semaphore, #tpu.memory_space<semaphore_mem>>)
      } else {
      }
      %jit3A_495 = arith.constant 256 : i32
      %div3A_496 = arith.divsi %add3A_484, %jit3A_495 : i32
      %sign3A_497 = arith.constant 0 : i32
      %sign3A_498 = arith.cmpi sgt, %add3A_484, %sign3A_497 : i32
      %sign3A_499 = arith.extui %sign3A_498 : i1 to i32
      %sign3A_500 = arith.constant 0 : i32
      %sign3A_501 = arith.cmpi slt, %add3A_484, %sign3A_500 : i32
      %sign3A_502 = arith.extui %sign3A_501 : i1 to i32
      %sign3A_503 = arith.subi %sign3A_499, %sign3A_502 : i32
      %sign3A_504 = arith.constant 0 : i32
      %sign3A_505 = arith.cmpi sgt, %jit3A_495, %sign3A_504 : i32
      %sign3A_506 = arith.extui %sign3A_505 : i1 to i32
      %sign3A_507 = arith.constant 0 : i32
      %sign3A_508 = arith.cmpi slt, %jit3A_495, %sign3A_507 : i32
      %sign3A_509 = arith.extui %sign3A_508 : i1 to i32
      %sign3A_510 = arith.subi %sign3A_506, %sign3A_509 : i32
      %ne3A_511 = arith.cmpi ne, %sign3A_503, %sign3A_510 : i32
      %rem3A_512 = arith.remsi %add3A_484, %jit3A_495 : i32
      %ne3A_513 = arith.constant 0 : i32
      %ne3A_514 = arith.cmpi ne, %rem3A_512, %ne3A_513 : i32
      %and3A_515 = arith.andi %ne3A_511, %ne3A_514 : i1
      %sub3A_516 = arith.constant 1 : i32
      %sub3A_517 = arith.subi %div3A_496, %sub3A_516 : i32
      %select_n3A_518 = arith.select %and3A_515, %sub3A_517, %div3A_496 : i32
      %add3A_519 = arith.addi %mul3A_2, %select_n3A_518 : i32
      %scan3A_520 = arith.constant 0 : i32
      %scan3A_521 = arith.constant 0 : i32
      %scan3A_522 = arith.constant 48 : i32
      %scan3A_523 = arith.addi %scan3A_521, %scan3A_522 : i32
      %scan3A_524 = arith.constant 1 : i32
      scf.for %scan3A_633 = %scan3A_521 to %scan3A_523 step %scan3A_524  : i32 {
        %mul3A_634 = arith.constant 16 : i32
        %mul3A_635 = arith.muli %scan3A_633, %mul3A_634 : i32
        %get3A = arith.index_cast %add3A_519 : i32 to index
        %get3A_636 = arith.index_cast %mul3A_635 : i32 to index
        %get3A_637 = tpu.vector_load %arg14[%get3A, %get3A_636] {strides = array<i32>} : memref<64x768xf32, #tpu.memory_space<vmem>>, vector<1x16xf32>,
        %get3A_638 = vector.shape_cast %get3A_637 : vector<1x16xf32> to vector<16xf32>
        %swap3A = arith.constant 0 : i32
        %swap3A_639 = arith.index_cast %swap3A : i32 to index
        %swap3A_640 = arith.index_cast %mul3A_635 : i32 to index
        %swap3A_641 = tpu.vector_load %arg13[%swap3A_639, %swap3A_640] {strides = array<i32>} : memref<16x768xf32, #tpu.memory_space<vmem>>, vector<1x16xf32>,
        %swap3A_642 = vector.shape_cast %swap3A_641 : vector<1x16xf32> to vector<16xf32>
        %swap3A_643 = vector.shape_cast %get3A_638 : vector<16xf32> to vector<1x16xf32>
        tpu.vector_store %arg13[%swap3A_639, %swap3A_640], %swap3A_643 {add = true, strides = array<i32>} : memref<16x768xf32, #tpu.memory_space<vmem>>, vector<1x16xf32>,
        %swap3A_644 = arith.constant 1 : i32
        %swap3A_645 = arith.index_cast %swap3A_644 : i32 to index
        %swap3A_646 = arith.index_cast %mul3A_635 : i32 to index
        %swap3A_647 = tpu.vector_load %arg13[%swap3A_645, %swap3A_646] {strides = array<i32>} : memref<16x768xf32, #tpu.memory_space<vmem>>, vector<1x16xf32>,
        %swap3A_648 = vector.shape_cast %swap3A_647 : vector<1x16xf32> to vector<16xf32>
        %swap3A_649 = vector.shape_cast %get3A_638 : vector<16xf32> to vector<1x16xf32>
        tpu.vector_store %arg13[%swap3A_645, %swap3A_646], %swap3A_649 {add = true, strides = array<i32>} : memref<16x768xf32, #tpu.memory_space<vmem>>, vector<1x16xf32>,
        %swap3A_650 = arith.constant 2 : i32
        %swap3A_651 = arith.index_cast %swap3A_650 : i32 to index
        %swap3A_652 = arith.index_cast %mul3A_635 : i32 to index
        %swap3A_653 = tpu.vector_load %arg13[%swap3A_651, %swap3A_652] {strides = array<i32>} : memref<16x768xf32, #tpu.memory_space<vmem>>, vector<1x16xf32>,
        %swap3A_654 = vector.shape_cast %swap3A_653 : vector<1x16xf32> to vector<16xf32>
        %swap3A_655 = vector.shape_cast %get3A_638 : vector<16xf32> to vector<1x16xf32>
        tpu.vector_store %arg13[%swap3A_651, %swap3A_652], %swap3A_655 {add = true, strides = array<i32>} : memref<16x768xf32, #tpu.memory_space<vmem>>, vector<1x16xf32>,
        %swap3A_656 = arith.constant 3 : i32
        %swap3A_657 = arith.index_cast %swap3A_656 : i32 to index
        %swap3A_658 = arith.index_cast %mul3A_635 : i32 to index
        %swap3A_659 = tpu.vector_load %arg13[%swap3A_657, %swap3A_658] {strides = array<i32>} : memref<16x768xf32, #tpu.memory_space<vmem>>, vector<1x16xf32>,
        %swap3A_660 = vector.shape_cast %swap3A_659 : vector<1x16xf32> to vector<16xf32>
        %swap3A_661 = vector.shape_cast %get3A_638 : vector<16xf32> to vector<1x16xf32>
        tpu.vector_store %arg13[%swap3A_657, %swap3A_658], %swap3A_661 {add = true, strides = array<i32>} : memref<16x768xf32, #tpu.memory_space<vmem>>, vector<1x16xf32>,
        %swap3A_662 = arith.constant 4 : i32
        %swap3A_663 = arith.index_cast %swap3A_662 : i32 to index
        %swap3A_664 = arith.index_cast %mul3A_635 : i32 to index
        %swap3A_665 = tpu.vector_load %arg13[%swap3A_663, %swap3A_664] {strides = array<i32>} : memref<16x768xf32, #tpu.memory_space<vmem>>, vector<1x16xf32>,
        %swap3A_666 = vector.shape_cast %swap3A_665 : vector<1x16xf32> to vector<16xf32>
        %swap3A_667 = vector.shape_cast %get3A_638 : vector<16xf32> to vector<1x16xf32>
        tpu.vector_store %arg13[%swap3A_663, %swap3A_664], %swap3A_667 {add = true, strides = array<i32>} : memref<16x768xf32, #tpu.memory_space<vmem>>, vector<1x16xf32>,
        %swap3A_668 = arith.constant 5 : i32
        %swap3A_669 = arith.index_cast %swap3A_668 : i32 to index
        %swap3A_670 = arith.index_cast %mul3A_635 : i32 to index
        %swap3A_671 = tpu.vector_load %arg13[%swap3A_669, %swap3A_670] {strides = array<i32>} : memref<16x768xf32, #tpu.memory_space<vmem>>, vector<1x16xf32>,
        %swap3A_672 = vector.shape_cast %swap3A_671 : vector<1x16xf32> to vector<16xf32>
        %swap3A_673 = vector.shape_cast %get3A_638 : vector<16xf32> to vector<1x16xf32>
        tpu.vector_store %arg13[%swap3A_669, %swap3A_670], %swap3A_673 {add = true, strides = array<i32>} : memref<16x768xf32, #tpu.memory_space<vmem>>, vector<1x16xf32>,
        %swap3A_674 = arith.constant 6 : i32
        %swap3A_675 = arith.index_cast %swap3A_674 : i32 to index
        %swap3A_676 = arith.index_cast %mul3A_635 : i32 to index
        %swap3A_677 = tpu.vector_load %arg13[%swap3A_675, %swap3A_676] {strides = array<i32>} : memref<16x768xf32, #tpu.memory_space<vmem>>, vector<1x16xf32>,
        %swap3A_678 = vector.shape_cast %swap3A_677 : vector<1x16xf32> to vector<16xf32>
        %swap3A_679 = vector.shape_cast %get3A_638 : vector<16xf32> to vector<1x16xf32>
        tpu.vector_store %arg13[%swap3A_675, %swap3A_676], %swap3A_679 {add = true, strides = array<i32>} : memref<16x768xf32, #tpu.memory_space<vmem>>, vector<1x16xf32>,
        %swap3A_680 = arith.constant 7 : i32
        %swap3A_681 = arith.index_cast %swap3A_680 : i32 to index
        %swap3A_682 = arith.index_cast %mul3A_635 : i32 to index
        %swap3A_683 = tpu.vector_load %arg13[%swap3A_681, %swap3A_682] {strides = array<i32>} : memref<16x768xf32, #tpu.memory_space<vmem>>, vector<1x16xf32>,
        %swap3A_684 = vector.shape_cast %swap3A_683 : vector<1x16xf32> to vector<16xf32>
        %swap3A_685 = vector.shape_cast %get3A_638 : vector<16xf32> to vector<1x16xf32>
        tpu.vector_store %arg13[%swap3A_681, %swap3A_682], %swap3A_685 {add = true, strides = array<i32>} : memref<16x768xf32, #tpu.memory_space<vmem>>, vector<1x16xf32>,
        %swap3A_686 = arith.constant 8 : i32
        %swap3A_687 = arith.index_cast %swap3A_686 : i32 to index
        %swap3A_688 = arith.index_cast %mul3A_635 : i32 to index
        %swap3A_689 = tpu.vector_load %arg13[%swap3A_687, %swap3A_688] {strides = array<i32>} : memref<16x768xf32, #tpu.memory_space<vmem>>, vector<1x16xf32>,
        %swap3A_690 = vector.shape_cast %swap3A_689 : vector<1x16xf32> to vector<16xf32>
        %swap3A_691 = vector.shape_cast %get3A_638 : vector<16xf32> to vector<1x16xf32>
        tpu.vector_store %arg13[%swap3A_687, %swap3A_688], %swap3A_691 {add = true, strides = array<i32>} : memref<16x768xf32, #tpu.memory_space<vmem>>, vector<1x16xf32>,
        %swap3A_692 = arith.constant 9 : i32
        %swap3A_693 = arith.index_cast %swap3A_692 : i32 to index
        %swap3A_694 = arith.index_cast %mul3A_635 : i32 to index
        %swap3A_695 = tpu.vector_load %arg13[%swap3A_693, %swap3A_694] {strides = array<i32>} : memref<16x768xf32, #tpu.memory_space<vmem>>, vector<1x16xf32>,
        %swap3A_696 = vector.shape_cast %swap3A_695 : vector<1x16xf32> to vector<16xf32>
        %swap3A_697 = vector.shape_cast %get3A_638 : vector<16xf32> to vector<1x16xf32>
        tpu.vector_store %arg13[%swap3A_693, %swap3A_694], %swap3A_697 {add = true, strides = array<i32>} : memref<16x768xf32, #tpu.memory_space<vmem>>, vector<1x16xf32>,
        %swap3A_698 = arith.constant 10 : i32
        %swap3A_699 = arith.index_cast %swap3A_698 : i32 to index
        %swap3A_700 = arith.index_cast %mul3A_635 : i32 to index
        %swap3A_701 = tpu.vector_load %arg13[%swap3A_699, %swap3A_700] {strides = array<i32>} : memref<16x768xf32, #tpu.memory_space<vmem>>, vector<1x16xf32>,
        %swap3A_702 = vector.shape_cast %swap3A_701 : vector<1x16xf32> to vector<16xf32>
        %swap3A_703 = vector.shape_cast %get3A_638 : vector<16xf32> to vector<1x16xf32>
        tpu.vector_store %arg13[%swap3A_699, %swap3A_700], %swap3A_703 {add = true, strides = array<i32>} : memref<16x768xf32, #tpu.memory_space<vmem>>, vector<1x16xf32>,
        %swap3A_704 = arith.constant 11 : i32
        %swap3A_705 = arith.index_cast %swap3A_704 : i32 to index
        %swap3A_706 = arith.index_cast %mul3A_635 : i32 to index
        %swap3A_707 = tpu.vector_load %arg13[%swap3A_705, %swap3A_706] {strides = array<i32>} : memref<16x768xf32, #tpu.memory_space<vmem>>, vector<1x16xf32>,
        %swap3A_708 = vector.shape_cast %swap3A_707 : vector<1x16xf32> to vector<16xf32>
        %swap3A_709 = vector.shape_cast %get3A_638 : vector<16xf32> to vector<1x16xf32>
        tpu.vector_store %arg13[%swap3A_705, %swap3A_706], %swap3A_709 {add = true, strides = array<i32>} : memref<16x768xf32, #tpu.memory_space<vmem>>, vector<1x16xf32>,
        %swap3A_710 = arith.constant 12 : i32
        %swap3A_711 = arith.index_cast %swap3A_710 : i32 to index
        %swap3A_712 = arith.index_cast %mul3A_635 : i32 to index
        %swap3A_713 = tpu.vector_load %arg13[%swap3A_711, %swap3A_712] {strides = array<i32>} : memref<16x768xf32, #tpu.memory_space<vmem>>, vector<1x16xf32>,
        %swap3A_714 = vector.shape_cast %swap3A_713 : vector<1x16xf32> to vector<16xf32>
        %swap3A_715 = vector.shape_cast %get3A_638 : vector<16xf32> to vector<1x16xf32>
        tpu.vector_store %arg13[%swap3A_711, %swap3A_712], %swap3A_715 {add = true, strides = array<i32>} : memref<16x768xf32, #tpu.memory_space<vmem>>, vector<1x16xf32>,
        %swap3A_716 = arith.constant 13 : i32
        %swap3A_717 = arith.index_cast %swap3A_716 : i32 to index
        %swap3A_718 = arith.index_cast %mul3A_635 : i32 to index
        %swap3A_719 = tpu.vector_load %arg13[%swap3A_717, %swap3A_718] {strides = array<i32>} : memref<16x768xf32, #tpu.memory_space<vmem>>, vector<1x16xf32>,
        %swap3A_720 = vector.shape_cast %swap3A_719 : vector<1x16xf32> to vector<16xf32>
        %swap3A_721 = vector.shape_cast %get3A_638 : vector<16xf32> to vector<1x16xf32>
        tpu.vector_store %arg13[%swap3A_717, %swap3A_718], %swap3A_721 {add = true, strides = array<i32>} : memref<16x768xf32, #tpu.memory_space<vmem>>, vector<1x16xf32>,
        %swap3A_722 = arith.constant 14 : i32
        %swap3A_723 = arith.index_cast %swap3A_722 : i32 to index
        %swap3A_724 = arith.index_cast %mul3A_635 : i32 to index
        %swap3A_725 = tpu.vector_load %arg13[%swap3A_723, %swap3A_724] {strides = array<i32>} : memref<16x768xf32, #tpu.memory_space<vmem>>, vector<1x16xf32>,
        %swap3A_726 = vector.shape_cast %swap3A_725 : vector<1x16xf32> to vector<16xf32>
        %swap3A_727 = vector.shape_cast %get3A_638 : vector<16xf32> to vector<1x16xf32>
        tpu.vector_store %arg13[%swap3A_723, %swap3A_724], %swap3A_727 {add = true, strides = array<i32>} : memref<16x768xf32, #tpu.memory_space<vmem>>, vector<1x16xf32>,
        %swap3A_728 = arith.constant 15 : i32
        %swap3A_729 = arith.index_cast %swap3A_728 : i32 to index
        %swap3A_730 = arith.index_cast %mul3A_635 : i32 to index
        %swap3A_731 = tpu.vector_load %arg13[%swap3A_729, %swap3A_730] {strides = array<i32>} : memref<16x768xf32, #tpu.memory_space<vmem>>, vector<1x16xf32>,
        %swap3A_732 = vector.shape_cast %swap3A_731 : vector<1x16xf32> to vector<16xf32>
        %swap3A_733 = vector.shape_cast %get3A_638 : vector<16xf32> to vector<1x16xf32>
        tpu.vector_store %arg13[%swap3A_729, %swap3A_730], %swap3A_733 {add = true, strides = array<i32>} : memref<16x768xf32, #tpu.memory_space<vmem>>, vector<1x16xf32>,
      }
      %scan3A_525 = arith.constant 48 : i32
      %jit3A_526 = arith.constant 256 : i32
      %div3A_527 = arith.divsi %add3A_484, %jit3A_526 : i32
      %sign3A_528 = arith.constant 0 : i32
      %sign3A_529 = arith.cmpi sgt, %add3A_484, %sign3A_528 : i32
      %sign3A_530 = arith.extui %sign3A_529 : i1 to i32
      %sign3A_531 = arith.constant 0 : i32
      %sign3A_532 = arith.cmpi slt, %add3A_484, %sign3A_531 : i32
      %sign3A_533 = arith.extui %sign3A_532 : i1 to i32
      %sign3A_534 = arith.subi %sign3A_530, %sign3A_533 : i32
      %sign3A_535 = arith.constant 0 : i32
      %sign3A_536 = arith.cmpi sgt, %jit3A_526, %sign3A_535 : i32
      %sign3A_537 = arith.extui %sign3A_536 : i1 to i32
      %sign3A_538 = arith.constant 0 : i32
      %sign3A_539 = arith.cmpi slt, %jit3A_526, %sign3A_538 : i32
      %sign3A_540 = arith.extui %sign3A_539 : i1 to i32
      %sign3A_541 = arith.subi %sign3A_537, %sign3A_540 : i32
      %ne3A_542 = arith.cmpi ne, %sign3A_534, %sign3A_541 : i32
      %rem3A_543 = arith.remsi %add3A_484, %jit3A_526 : i32
      %ne3A_544 = arith.constant 0 : i32
      %ne3A_545 = arith.cmpi ne, %rem3A_543, %ne3A_544 : i32
      %and3A_546 = arith.andi %ne3A_542, %ne3A_545 : i1
      %sub3A_547 = arith.constant 1 : i32
      %sub3A_548 = arith.subi %div3A_527, %sub3A_547 : i32
      %select_n3A_549 = arith.select %and3A_546, %sub3A_548, %div3A_527 : i32
      %add3A_550 = arith.addi %mul3A_2, %select_n3A_549 : i32
      %jit3A_551 = arith.constant 256 : i32
      %eq3A_552 = arith.constant 0 : i32
      %eq3A_553 = arith.cmpi eq, %jit3A_551, %eq3A_552 : i32
      %jit3A_554 = arith.constant 1 : i32
      %select_n3A_555 = arith.select %eq3A_553, %jit3A_554, %jit3A_551 : i32
      %rem3A_556 = arith.remsi %add3A_484, %select_n3A_555 : i32
      %ne3A_557 = arith.constant 0 : i32
      %ne3A_558 = arith.cmpi ne, %rem3A_556, %ne3A_557 : i32
      %lt3A_559 = arith.constant 0 : i32
      %lt3A_560 = arith.cmpi slt, %rem3A_556, %lt3A_559 : i32
      %lt3A_561 = arith.constant 0 : i32
      %lt3A_562 = arith.cmpi slt, %select_n3A_555, %lt3A_561 : i32
      %ne3A_563 = arith.xori %lt3A_560, %lt3A_562 : i1
      %and3A_564 = arith.andi %ne3A_563, %ne3A_558 : i1
      %add3A_565 = arith.addi %rem3A_556, %select_n3A_555 : i32
      %select_n3A_566 = arith.select %and3A_564, %add3A_565, %rem3A_556 : i32
      %mul3A_567 = arith.constant 16 : i32
      %mul3A_568 = arith.muli %select_n3A_566, %mul3A_567 : i32
      %dma_start3A_569 = arith.constant 0 : i32
      %dma_start3A_570 = tpu.memref_slice %arg5[%mul3A_568, %add3A_550, %dma_start3A_569] : memref<4096x64x768xf32, #tpu.memory_space<hbm>> -> memref<16x1x768xf32, #tpu.memory_space<hbm>>
      %dma_start3A_571 = tpu.memref_squeeze %dma_start3A_570 : memref<16x1x768xf32, #tpu.memory_space<hbm>> -> memref<16x768xf32, #tpu.memory_space<hbm>>
      %dma_start3A_572 = arith.constant 0 : i32
      %dma_start3A_573 = tpu.memref_slice %arg5[%mul3A_568, %add3A_550, %dma_start3A_572] : memref<4096x64x768xf32, #tpu.memory_space<hbm>> -> memref<16x1x768xf32, #tpu.memory_space<hbm>>
      %dma_start3A_574 = tpu.memref_squeeze %dma_start3A_573 : memref<16x1x768xf32, #tpu.memory_space<hbm>> -> memref<16x768xf32, #tpu.memory_space<hbm>>
      tpu.enqueue_dma source(%arg13 : memref<16x768xf32, #tpu.memory_space<vmem>>) target(%dma_start3A_574 : memref<16x768xf32, #tpu.memory_space<hbm>>) target_semaphore(%arg26 : memref<!tpu.dma_semaphore, #tpu.memory_space<semaphore_mem>>)
      %sub3A_575 = arith.constant 1 : i32
      %sub3A_576 = arith.subi %add3A_484, %sub3A_575 : i32
      %jit3A_577 = arith.constant 256 : i32
      %div3A_578 = arith.divsi %sub3A_576, %jit3A_577 : i32
      %sign3A_579 = arith.constant 0 : i32
      %sign3A_580 = arith.cmpi sgt, %sub3A_576, %sign3A_579 : i32
      %sign3A_581 = arith.extui %sign3A_580 : i1 to i32
      %sign3A_582 = arith.constant 0 : i32
      %sign3A_583 = arith.cmpi slt, %sub3A_576, %sign3A_582 : i32
      %sign3A_584 = arith.extui %sign3A_583 : i1 to i32
      %sign3A_585 = arith.subi %sign3A_581, %sign3A_584 : i32
      %sign3A_586 = arith.constant 0 : i32
      %sign3A_587 = arith.cmpi sgt, %jit3A_577, %sign3A_586 : i32
      %sign3A_588 = arith.extui %sign3A_587 : i1 to i32
      %sign3A_589 = arith.constant 0 : i32
      %sign3A_590 = arith.cmpi slt, %jit3A_577, %sign3A_589 : i32
      %sign3A_591 = arith.extui %sign3A_590 : i1 to i32
      %sign3A_592 = arith.subi %sign3A_588, %sign3A_591 : i32
      %ne3A_593 = arith.cmpi ne, %sign3A_585, %sign3A_592 : i32
      %rem3A_594 = arith.remsi %sub3A_576, %jit3A_577 : i32
      %ne3A_595 = arith.constant 0 : i32
      %ne3A_596 = arith.cmpi ne, %rem3A_594, %ne3A_595 : i32
      %and3A_597 = arith.andi %ne3A_593, %ne3A_596 : i1
      %sub3A_598 = arith.constant 1 : i32
      %sub3A_599 = arith.subi %div3A_578, %sub3A_598 : i32
      %select_n3A_600 = arith.select %and3A_597, %sub3A_599, %div3A_578 : i32
      %add3A_601 = arith.addi %mul3A_2, %select_n3A_600 : i32
      %jit3A_602 = arith.constant 256 : i32
      %eq3A_603 = arith.constant 0 : i32
      %eq3A_604 = arith.cmpi eq, %jit3A_602, %eq3A_603 : i32
      %jit3A_605 = arith.constant 1 : i32
      %select_n3A_606 = arith.select %eq3A_604, %jit3A_605, %jit3A_602 : i32
      %rem3A_607 = arith.remsi %sub3A_576, %select_n3A_606 : i32
      %ne3A_608 = arith.constant 0 : i32
      %ne3A_609 = arith.cmpi ne, %rem3A_607, %ne3A_608 : i32
      %lt3A_610 = arith.constant 0 : i32
      %lt3A_611 = arith.cmpi slt, %rem3A_607, %lt3A_610 : i32
      %lt3A_612 = arith.constant 0 : i32
      %lt3A_613 = arith.cmpi slt, %select_n3A_606, %lt3A_612 : i32
      %ne3A_614 = arith.xori %lt3A_611, %lt3A_613 : i1
      %and3A_615 = arith.andi %ne3A_614, %ne3A_609 : i1
      %add3A_616 = arith.addi %rem3A_607, %select_n3A_606 : i32
      %select_n3A_617 = arith.select %and3A_615, %add3A_616, %rem3A_607 : i32
      %mul3A_618 = arith.constant 16 : i32
      %mul3A_619 = arith.muli %select_n3A_617, %mul3A_618 : i32
      %dma_wait3A_620 = arith.constant 0 : i32
      %dma_wait3A_621 = tpu.memref_slice %arg5[%mul3A_619, %add3A_601, %dma_wait3A_620] : memref<4096x64x768xf32, #tpu.memory_space<hbm>> -> memref<16x1x768xf32, #tpu.memory_space<hbm>>
      %dma_wait3A_622 = tpu.memref_squeeze %dma_wait3A_621 : memref<16x1x768xf32, #tpu.memory_space<hbm>> -> memref<16x768xf32, #tpu.memory_space<hbm>>
      %dma_wait3A_623 = arith.constant 0 : i32
      %dma_wait3A_624 = tpu.memref_slice %arg5[%mul3A_619, %add3A_601, %dma_wait3A_623] : memref<4096x64x768xf32, #tpu.memory_space<hbm>> -> memref<16x1x768xf32, #tpu.memory_space<hbm>>
      %dma_wait3A_625 = tpu.memref_squeeze %dma_wait3A_624 : memref<16x1x768xf32, #tpu.memory_space<hbm>> -> memref<16x768xf32, #tpu.memory_space<hbm>>
      tpu.wait_dma2 semaphore(%arg25 : memref<!tpu.dma_semaphore, #tpu.memory_space<semaphore_mem>>) src(%arg12 : memref<16x768xf32, #tpu.memory_space<vmem>>) dst(%dma_wait3A_625 : memref<16x768xf32, #tpu.memory_space<hbm>>)
      %add3A_626 = arith.constant 3 : i32
      %add3A_627 = arith.addi %add3A_484, %add3A_626 : i32
      %lt3A_628 = arith.constant 512 : i32
      %lt3A_629 = arith.cmpi slt, %add3A_627, %lt3A_628 : i32
      %convert_element_type3A_630 = arith.extui %lt3A_629 : i1 to i32
      %cond3A_631 = arith.constant 0 : i32
      %cond3A_632 = arith.cmpi ne, %convert_element_type3A_630, %cond3A_631 : i32
      scf.if %cond3A_632 {
        %add3A_633 = arith.constant 3 : i32
        %add3A_634 = arith.addi %add3A_484, %add3A_633 : i32
        %add3A_635 = arith.addi %mul3A_4, %add3A_634 : i32
        %dma_wait3A_636 = arith.constant 0 : i32
        %dma_wait3A_637 = tpu.memref_slice %arg2[%add3A_635, %dma_wait3A_636] : memref<16384x16xi32, #tpu.memory_space<hbm>> -> memref<1x16xi32, #tpu.memory_space<hbm>>
        %dma_wait3A_638 = tpu.memref_squeeze %dma_wait3A_637 : memref<1x16xi32, #tpu.memory_space<hbm>> -> memref<16xi32, #tpu.memory_space<hbm>>
        %dma_wait3A_639 = arith.constant 0 : i32
        %dma_wait3A_640 = tpu.memref_slice %arg2[%add3A_635, %dma_wait3A_639] : memref<16384x16xi32, #tpu.memory_space<hbm>> -> memref<1x16xi32, #tpu.memory_space<hbm>>
        %dma_wait3A_641 = tpu.memref_squeeze %dma_wait3A_640 : memref<1x16xi32, #tpu.memory_space<hbm>> -> memref<16xi32, #tpu.memory_space<hbm>>
        tpu.wait_dma2 semaphore(%arg21 : memref<!tpu.dma_semaphore, #tpu.memory_space<semaphore_mem>>) src(%dma_wait3A_641 : memref<16xi32, #tpu.memory_space<hbm>>) dst(%arg8 : memref<16xi32, #tpu.memory_space<vmem>>)
        %dma_start3A_642 = arith.constant 0 : i32
        %dma_start3A_643 = arith.constant 0 : i32
        %dma_start3A_644 = tpu.memref_slice %arg3[%dma_start3A_642, %dma_start3A_643] : memref<256000x768xf32, #tpu.memory_space<hbm>> -> memref<256000x768xf32, #tpu.memory_space<hbm>>
        tpu.enqueue_indirect_dma source(%dma_start3A_644 : memref<256000x768xf32, #tpu.memory_space<hbm>>) target(%arg12 : memref<16x768xf32, #tpu.memory_space<vmem>>) offsets(%arg8 : memref<16xi32, #tpu.memory_space<vmem>>) semaphore(%arg17 : memref<!tpu.dma_semaphore, #tpu.memory_space<semaphore_mem>>)
      } else {
      }
    }
    %scan3A_72 = arith.constant 128 : i32
    %add3A_73 = arith.constant 1 : i32
    %add3A_74 = arith.addi %mul3A_2, %add3A_73 : i32
    %dma_wait3A_75 = arith.constant 4080 : i32
    %dma_wait3A_76 = arith.constant 0 : i32
    %dma_wait3A_77 = tpu.memref_slice %arg5[%dma_wait3A_75, %add3A_74, %dma_wait3A_76] : memref<4096x64x768xf32, #tpu.memory_space<hbm>> -> memref<16x1x768xf32, #tpu.memory_space<hbm>>
    %dma_wait3A_78 = tpu.memref_squeeze %dma_wait3A_77 : memref<16x1x768xf32, #tpu.memory_space<hbm>> -> memref<16x768xf32, #tpu.memory_space<hbm>>
    %dma_wait3A_79 = arith.constant 4080 : i32
    %dma_wait3A_80 = arith.constant 0 : i32
    %dma_wait3A_81 = tpu.memref_slice %arg5[%dma_wait3A_79, %add3A_74, %dma_wait3A_80] : memref<4096x64x768xf32, #tpu.memory_space<hbm>> -> memref<16x1x768xf32, #tpu.memory_space<hbm>>
    %dma_wait3A_82 = tpu.memref_squeeze %dma_wait3A_81 : memref<16x1x768xf32, #tpu.memory_space<hbm>> -> memref<16x768xf32, #tpu.memory_space<hbm>>
    tpu.wait_dma2 semaphore(%arg26 : memref<!tpu.dma_semaphore, #tpu.memory_space<semaphore_mem>>) src(%arg13 : memref<16x768xf32, #tpu.memory_space<vmem>>) dst(%dma_wait3A_82 : memref<16x768xf32, #tpu.memory_space<hbm>>)
    return
  }
}

</mosaic_0001>

<sc_bundles>
// kernel: kernel.3.cloned.1.call-start
scs
__scs_entry_jumppad:
0x0: {  	(pc) =	sbr.rel $0x88, $3  }
0x1: {  	(tag) =	ssettag $0x0;
	lr =	simm.s32 $0x1  }
0x2: {  	[smem:$0x3F9E] =	sst lr;
	_ =	strace $0xD0000000  }
0x3: {  	_ = 	snop  }
0x4: {  	_ = 	snop  }
0x5: {  	_ = 	snop  }
0x6: {  	_ = 	snop  }
0x7: {  	_ = 	snop  }
__scs_overlays_trampoline_lowered:
0x8: {  	[smem:$0x3FAD] =	sst s0  }
0x9: {  	[smem:$0x3FAE] =	sst s1  }
0xa: {  	[smem:$0x3FAF] =	sst s2  }
0xb: {  	[smem:$0x3FB0] =	sst s3  }
0xc: {  	[smem:$0x3FB1] =	sst s4  }
0xd: {  	[smem:$0x3FB2] =	sst s5  }
0xe: {  	[smem:$0x3FB3] =	sst s6  }
0xf: {  	[smem:$0x3FB4] =	sst s7  }
0x10: {  	[smem:$0x3FB5] =	sst s8  }
0x11: {  	[smem:$0x3FB6] =	sst s9;
	s0 =	simm.s32 @!p0 $0x0  }
0x12: {  	s1 =	sld [smem:$0x3F9C];
	s0 =	simm.s32 @p0 $0x1  }
0x13: {  	[smem:$0x3FB7] =	sst s0;
	s0 =	simm.s32 @!p1 $0x0  }
0x14: {  	s2 =	sld [smem:$0x3F9B];
	s0 =	simm.s32 @p1 $0x1  }
0x15: {  	[smem:$0x3FB8] =	sst s0;
	s0 =	simm.s32 @!p2 $0x0  }
0x16: {  	s3 =	sld [smem:$0x3FDB];
	s0 =	simm.s32 @p2 $0x1  }
0x17: {  	s4 =	simm.s32 $0x1BF5;
	[smem:$0x3FBA] =	sst s0  }
0x18: {  	s0 =	sld [smem:$0x3F9D];
	_ =	swait.ge [sflag:s4], $0x0  }
0x19: {  	s7 =	sld [smem:$0x3F9E]  }
0x1a: {  	s8 =	sadd.s32 $0xFFFFE003, lr  }
0x1b: {  	s9 =	sadd.s32 $0xFFFFFEF7, lr;
	s5 =	simm.s32 $0xFFFFFFFF;
	p2 =	slt.u32 s8, $0xFFFFF086  }
0x1c: {  	p1 =	slt.u32 s9, $0xF7A;
	s5 =	simm.s32 @!p2 $0x0  }
0x1d: {  	s5 =	simm.s32 @p1 $0x1;
	p0 =	seq.s32 s7, s2  }
0x1e: {  	s7 =	smul.u32 @!p0 $0xF7A, s2;
	p2 =	seq.s32 @!p0 s5, $0x0  }
0x1f: {  	s9 =	smul.u32 $0xF7A, s1;
	s8 =	simm.s32 @!p0 $0x1BF5;
	p2 =	por !p2, p0  }
0x20: {  	[sflag:s8] =	ssyncset.s32 @!p0 $0xFFFFF086;
	s6 =	sadd.s32 @!p0 s3, s7;
	s7 =	simm.s32 @!p0 $0x108  }
0x21: {  	s3 =	sadd.s32 s3, s9;
	s6 =	sadd.s32 @!p0 $0x88, s6;
	s7 =	simm.s32 @p2 $0x1082  }
0x22: {  	[simem:s7], [sflag:s8] =	dma.local @!p0 [hbm:s6], $0xF7A  }
0x23: {  	s9 =	sor.u32 $0xD0000000, s2;
	s6 =	simm.s32 $0x108;
	_ =	swait.ge @!p0 [sflag:s8], $0x0  }
0x24: {  	s3 =	sadd.s32 $0x88, s3;
	s6 =	simm.s32 @!p1 $0x1082;
	[sflag:s4] =	ssyncset.s32 $0xFFFFF086  }
0x25: {  	[simem:s6], [sflag:s4] =	dma.local [hbm:s3], $0xF7A  }
0x26: {  	[smem:$0x3F9E] =	sst s1;
	(tag) =	ssettag s2;
	_ =	strace s9  }
0x27: {  	s1 =	sld [smem:$0x3FAE]  }
0x28: {  	s2 =	sld [smem:$0x3FAF]  }
0x29: {  	s4 =	sld [smem:$0x3FB1]  }
0x2a: {  	p0 =	seq.s32 s5, $0x0;
	s5 =	sld [smem:$0x3FB2]  }
0x2b: {  	s6 =	sld [smem:$0x3FB3]  }
0x2c: {  	s7 =	sld [smem:$0x3FB4]  }
0x2d: {  	s3 =	simm.s32 $0x108;
	s8 =	sld [smem:$0x3FB5]  }
0x2e: {  	s3 =	simm.s32 @!p0 $0x1082;
	s9 =	sld [smem:$0x3FB6]  }
0x2f: {  	lr =	sadd.s32 s0, s3;
	s0 =	sld [smem:$0x3FAD]  }
0x30: {  	s3 =	sld [smem:$0x3FB0]  }
0x31: {  	[smem:$0x3FB9] =	sst s10  }
0x32: {  	s10 =	sld [smem:$0x3FB7];
	_ =	sdelay $0x3  }
0x33: {  	p0 =	seq.s32 s10, $0x1;
	s10 =	sld [smem:$0x3FB9];
	_ =	sdelay $0x3  }
0x34: {  	[smem:$0x3FB9] =	sst s10  }
0x35: {  	s10 =	sld [smem:$0x3FB8];
	_ =	sdelay $0x3  }
0x36: {  	p1 =	seq.s32 s10, $0x1;
	s10 =	sld [smem:$0x3FB9];
	_ =	sdelay $0x3  }
0x37: {  	[smem:$0x3FB9] =	sst s10  }
0x38: {  	s10 =	sld [smem:$0x3FBA]  }
0x39: {  	_ = 	snop;
	(pc) =	sbr.ind lr, $3  }
0x3a: {  	_ = 	snop  }
0x3b: {  	_ = 	snop  }
0x3c: {  	p2 =	seq.s32 s10, $0x1;
	s10 =	sld [smem:$0x3FB9]  }
0x3d: {  	_ =	shalt  }
0x3e: {  	_ =	shalt  }
0x3f: {  	_ =	shalt  }
0x40: {  	_ =	shalt  }
0x41: {  	_ =	shalt  }
0x42: {  	_ =	shalt  }
0x43: {  	_ =	shalt  }
0x44: {  	_ =	shalt  }
0x45: {  	_ =	shalt  }
0x46: {  	_ =	shalt  }
0x47: {  	_ =	shalt  }
0x48: {  	_ =	shalt  }
0x49: {  	_ =	shalt  }
0x4a: {  	_ =	shalt  }
0x4b: {  	_ =	shalt  }
0x4c: {  	_ =	shalt  }
0x4d: {  	_ =	shalt  }
0x4e: {  	_ =	shalt  }
0x4f: {  	_ =	shalt  }
0x50: {  	_ =	shalt  }
0x51: {  	_ =	shalt  }
0x52: {  	_ =	shalt  }
0x53: {  	_ =	shalt  }
0x54: {  	_ =	shalt  }
0x55: {  	_ =	shalt  }
0x56: {  	_ =	shalt  }
0x57: {  	_ =	shalt  }
0x58: {  	_ =	shalt  }
0x59: {  	_ =	shalt  }
0x5a: {  	_ =	shalt  }
0x5b: {  	_ =	shalt  }
0x5c: {  	_ =	shalt  }
0x5d: {  	_ =	shalt  }
0x5e: {  	_ =	shalt  }
0x5f: {  	_ =	shalt  }
0x60: {  	_ =	shalt  }
0x61: {  	_ =	shalt  }
0x62: {  	_ =	shalt  }
0x63: {  	_ =	shalt  }
0x64: {  	_ =	shalt  }
0x65: {  	_ =	shalt  }
0x66: {  	_ =	shalt  }
0x67: {  	_ =	shalt  }
0x68: {  	_ =	shalt  }
0x69: {  	_ =	shalt  }
0x6a: {  	_ =	shalt  }
0x6b: {  	_ =	shalt  }
0x6c: {  	_ =	shalt  }
0x6d: {  	_ =	shalt  }
0x6e: {  	_ =	shalt  }
0x6f: {  	_ =	shalt  }
0x70: {  	_ =	shalt  }
0x71: {  	_ =	shalt  }
0x72: {  	_ =	shalt  }
0x73: {  	_ =	shalt  }
0x74: {  	_ =	shalt  }
0x75: {  	_ =	shalt  }
0x76: {  	_ =	shalt  }
0x77: {  	_ =	shalt  }
0x78: {  	_ =	shalt  }
0x79: {  	_ =	shalt  }
0x7a: {  	_ =	shalt  }
0x7b: {  	_ =	shalt  }
0x7c: {  	_ =	shalt  }
0x7d: {  	_ =	shalt  }
0x7e: {  	_ =	shalt  }
0x7f: {  	_ =	shalt  }
0x80: {  	_ =	shalt  }
0x81: {  	_ =	shalt  }
0x82: {  	_ =	shalt  }
0x83: {  	_ =	shalt  }
0x84: {  	_ =	shalt  }
0x85: {  	_ =	shalt  }
0x86: {  	_ =	shalt  }
0x87: {  	_ =	shalt  }
.Lfunc_end0:
.L_simem_size_0:
called_computation_lowered:
.L_overlay_start_0:
0x88: {  	s2 =	sld [smem:$0x3FD9]  }
0x89: {  	s3 =	sld [smem:$0x3FFE];
	_ =	sdelay $0x1  }
0x8a: {  	s1 =	srdreg.scid  }
0x8b: {  	s0 =	sand.u32 $0x1, s1  }
0x8c: {  	s17 =	sshll.u32 s0, $0xA;
	s2 =	sadd.s32 s3, s2  }
0x8d: {  	s2 =	sadd.s32 s2, s17  }
0x8e: {  	[smem:$0x3FC5] =	sst s2  }
0x8f: {  	_ = 	snop  }
0x90: {  	s2 =	sld [smem:$0x3FC8]  }
0x91: {  	s18 =	sld [smem:$0x3FC7]  }
0x92: {  	s4 =	sld [smem:$0x3FD0];
	(tm) =	ssettm $0x1  }
0x93: {  	s5 =	sld [smem:$0x3FFB];
	_ =	sdelay $0x3  }
0x94: {  	_ =	strace s5  }
0x95: {  	s5 =	sld [smem:$0x3FFC];
	_ =	sdelay $0x3  }
0x96: {  	_ =	strace s5  }
0x97: {  	s5 =	sld [smem:$0x3FFD];
	_ =	sdelay $0x3  }
0x98: {  	_ =	strace s5  }
0x99: {  	_ =	strace $0x8FFFFFFF  }
0x9a: {  	s19 =	sld [smem:$0x3FDB];
	_ =	sdelay $0x1  }
0x9b: {  	s6 =	simm.s32 $_scs_section_size  }
0x9c: {  	s7 =	simm.s32 $_size__tile_overlayer_lowered;
	s8 =	simm.s32 $_tile_overlayer_lowered  }
0x9d: {  	s22 =	simm.s32 $0x1BFF;
	s21 =	sshll.u32 s8, $0x1;
	s5 =	sadd.s32 s6, s19  }
0x9e: {  	s9 =	simm.s32 $0x0;
	s20 =	sshll.u32 s7, $0x1;
	s7 =	sadd.s32 s21, s5  }
0x9f: {  	[timem:s9], [sflag:s22] =	dma.local [hbm:s7], s20  }
0xa0: {  	_ =	swait.ge [sflag:s22], s20  }
0xa1: {  	s6 =	ssub.s32 $0x0, s20;
	[sflag:s22] =	ssyncset.done $0x0  }
0xa2: {  	[sflag:s22] =	ssyncadd.s32 s6;
	_ =	sdelay $0x1  }
0xa3: {  	s23 =	simm.s32 $0x1B8B  }
0xa4: {  	_ =	swait.ge [sflag:s23], $0x1  }
0xa5: {  	[sflag:s23] =	ssyncset.done $0x0  }
0xa6: {  	s25 =	simm.s32 $0x1B8E;
	s24 =	sld [smem:$0x3FFE];
	[sflag:s23] =	ssyncadd.s32 $0xFFFFFFFF  }
0xa7: {  	s26 =	simm.s32 $execute0_lowered;
	[smem:$0x3FD2] =	sst s25  }
0xa8: {  	s7 =	sshll.u32 s26, $0x1;
	_ =	strace $0x80000046;
	[dreg:$0x1] =	wrdreg $0xFFFFFFFF  }
0xa9: {  	s28 =	simm.s32 $_size_execute0_lowered;
	s5 =	sadd.s32 s5, s7;
	[dreg:$0x0] =	wrdreg $0x0  }
0xaa: {  	s7 =	sshll.u32 s28, $0x1;
	[dreg:$0x2] =	wrdreg s5  }
0xab: {  	[dreg:$0x3] =	wrdreg s7  }
0xac: {  	[dreg:$0x4] =	wrdreg $0xC0  }
0xad: {  	_ =	task [dreg:s9], $0x5FFFF  }
0xae: {  	[dreg:$0x1] =	wrdreg $0xFFFFFFFF  }
0xaf: {  	[dreg:$0x0] =	wrdreg $0x60  }
0xb0: {  	[dreg:$0x2] =	wrdreg s24  }
0xb1: {  	[dreg:$0x3] =	wrdreg s2  }
0xb2: {  	[dreg:$0x4] =	wrdreg s18  }
0xb3: {  	[dreg:$0x5] =	wrdreg s4  }
0xb4: {  	[dreg:$0x6] =	wrdreg $0x9  }
0xb5: {  	_ =	task.clear_ibuf [dreg:s9], $0x7FFFF;
	_ =	strace $0x90000046  }
0xb6: {  	s29 =	simm.s32 $0x9;
	_ =	strace $0x80000048  }
0xb7: {  	_ =	swait.ge [sflag:s29], $0x1  }
0xb8: {  	[sflag:s29] =	ssyncadd.s32 $0xFFFFFFFF  }
0xb9: {  	_ =	strace $0x90000048  }
0xba: {  	_ =	sfence  }
0xbb: {  	s30 =	sld [smem:$0x0];
	_ =	sdelay $0x2  }
0xbc: {  	s31 =	sshll.u32 s1, $0xD;
	s1 =	sshrl.u32 s1, $0x2  }
0xbd: {  	s3 =	sand.u32 $0x4000, s31;
	s1 =	sadd.s32 s1, s30  }
0xbe: {  	s0 =	sor.u32 s3, s0;
	s1 =	sshll.u32 s1, $0x11  }
0xbf: {  	s0 =	sor.u32 s1, s0  }
0xc0: {  	s0 =	sadd.s32 $0x8F2B, s0  }
0xc1: {  	[sflag:s0] =	ssyncadd.remote.s32 $0x1  }
0xc2: {  	_ =	sfence.sel $0xFFFF  }
0xc3: {  	[dreg:$0x0] =	wrdreg $0xFFFFFFFF;
	(pc) =	sbr.abs _section_cstart, $3  }
0xc4: {  	[dreg:$0x1] =	wrdreg $0xFFFFFFFF  }
0xc5: {  	_ =	task.clear_ibuf [dreg:s9], $0x2FFFF;
	_ =	strace $0x9FFFFFFF  }
0xc6: {  	(tm) =	ssettm $0x7FFFFFFF  }
0xc7: {  	_ =	shalt  }
tec
execute0_lowered:
.L_overlay_start_1:
0x0: {  	(tag) =	ssettag $0x1  }
0x1: {  	s0 =	rddreg [dreg:$0x0]  }
0x2: {  	s1 =	rddreg [dreg:$0x1]  }
0x3: {  	s3 =	rddreg [dreg:$0x3]  }
0x4: {  	s5 =	simm.s32 $0x0;
	s2 =	srdreg.scid;
	s8 =	stileid.u32  }
0x5: {  	s31 =	simm.s32 $0x80;
	s30 =	simm.s32 $0x6A00;
	s28 =	simm.s32 $0xC000  }
0x6: {  	s29 =	simm.s32 $0x8;
	s14 =	simm.s32 $0x2;
	s13 =	simm.s32 $0x9  }
0x7: {  	s15 =	simm.s32 $0xA;
	s16 =	simm.s32 $0xB;
	[smem:$0x7FF] =	sst s5  }
0x8: {  	s2 =	sand.u32 $0x1, s2;
	s7 =	sshll.u32 s8, $0x1;
	s8 =	sshrl.u32 s8, $0x1  }
0x9: {  	s6 =	sadd.s32 $0x400, s0;
	s9 =	sadd.s32 $0x100, s1;
	s21 =	smul.u32 $0x6000, s8  }
0xa: {  	s23 =	sadd.s32 $0x18000, s3;
	_ =	strace $0x80000047;
	s8 =	smul.u32 $0x1800, s8  }
0xb: {  	s4 =	ssub.s32 $0x2, s2;
	s2 =	sor.u32 s2, s7;
	[dreg:$0xb] =	wrdreg s23  }
0xc: {  	s20 =	sshll.u32 s2, $0xD;
	s26 =	sshll.u32 s2, $0x8;
	[dreg:$0x8] =	wrdreg s8  }
0xd: {  	s10 =	sadd.s32 $0x200, s1;
	s11 =	sadd.s32 s6, s20;
	[dreg:$0xf] =	wrdreg s26  }
0xe: {  	s19 =	sshrl.u32 s4, $0x1;
	s24 =	sor.u32 $0x180000, s8;
	[dreg:$0x5] =	wrdreg s11  }
0xf: {  	s7 =	sshll.u32 s2, $0x9;
	s25 =	sor.u32 $0x240000, s8;
	[dreg:$0xc] =	wrdreg s24  }
0x10: {  	s0 =	ssub.s32 s4, s19;
	s12 =	sadd.s32 $0x10, s11;
	[dreg:$0xd] =	wrdreg s25  }
0x11: {  	s4 =	sshrl.u32 s21, $0x2;
	s22 =	sadd.s32 $0x20, s11;
	[dreg:$0x6] =	wrdreg s12  }
.Ltmp0:
0x12: {  	s11 =	sadd.s32 $0x30, s11;
	[dreg:$0x7] =	wrdreg s22;
	(pc) =	sbr.rel .LBB2_1-.Ltmp0, $4  }
0x13: {  	s19 =	simm.s32 $0x7;
	s4 =	sadd.s32 $0xC200, s4;
	[dreg:$0x9] =	wrdreg s11  }
0x14: {  	v2 =	vlaneseq.u32;
	s26 =	simm.s32 $0x1;
	s0 =	smax.u32 s0, $0x1;
	[dreg:$0xa] =	wrdreg s4  }
0x15: {  	vm0 =	vmmov $0xffff;
	v1 =	vshrl.u32 v2, $0x3;
	s21 =	simm.s32 $0x9200;
	s25 =	simm.s32 $0x6200;
	[dreg:$0xe] =	wrdreg s0  }
0x16: {  	v0 =	vand.u32 $0x7, v2;
	v2 =	vor.u32 $0x8, v2;
	v1 =	vmul.u32 $0x8, v1;
	s11 =	simm.s32 $0xB200;
	s12 =	simm.s32 $0xBA00;
	s4 =	simm.s32 $0x0  }
.LBB2_12:
0x17: {  	s2 =	simm.s32 $0xC  }
0x18: {  	_ =	swait.ge [sflag:s2], $0x3000  }
0x19: {  	s4 =	rddreg [dreg:$0x10]  }
0x1a: {  	s0 =	rddreg [dreg:$0xe];
	s4 =	sadd.s32 $0x1, s4  }
0x1b: {  	p0 =	sne.s32 s4, s0  }
.Ltmp1:
0x1c: {  	_ = 	snop;
	(pc) =	sbr.rel @!p0 .LBB2_13-.Ltmp1, $3  }
0x1d: {  	_ =	sdelay $0x1  }
0x1e: {  	[sflag:s2] =	ssyncset.done $0x0  }
0x1f: {  	[sflag:s2] =	ssyncadd.s32 $0xFFFFD000  }
.LBB2_1:
0x20: {  	[dreg:$0x10] =	wrdreg s4  }
0x21: {  	s0 =	rddreg [dreg:$0x2];
	s2 =	simm.s32 $0xC200;
	s18 =	simm.s32 $0xD  }
0x22: {  	[tilespmem:s2], [sflag:$0xD] =	stream.linear.gather [hbm4b:s0+s5], $0xC000, $0x38;
	[tilespmem:$0x18200] =	vst v63  }
0x23: {  	_ =	swait.ge [sflag:s18], $0xC000  }
0x24: {  	[sflag:s18] =	ssyncset.done $0x0  }
0x25: {  	s22 =	simm.s32 $0x5;
	s20 =	rddreg [dreg:$0x5];
	[sflag:s18] =	ssyncadd.s32 $0xFFFF4000  }
0x26: {  	[tilespmem:s5], [sflag:$0x5] =	stream.linear.gather [hbm4b:s20+s5], $0x80, $0x38;
	[tilespmem:$0x18200] =	vst v63  }
0x27: {  	_ =	swait.ge [sflag:s22], $0x80  }
0x28: {  	[sflag:s22] =	ssyncset.done $0x0  }
0x29: {  	[sflag:s22] =	ssyncadd.s32 $0xFFFFFF80  }
0x2a: {  	v3 =	vld [tilespmem:$0x0];
	_ =	sdelay $0x4  }
0x2b: {  	v4 =	vshrl.u32 v3, $0x3  }
0x2c: {  	v4 =	vmul.u32 $0x30, v4  }
0x2d: {  	v3 =	vand.u32 $0x7, v3  }
0x2e: {  	v3 =	vor.u32 v3, v4  }
0x2f: {  	v4 =	vperm.xlane v3, v0;
	_ =	sdelay $0x1  }
0x30: {  	v4 =	vadd.s32 v1, v4;
	_ =	sdelay $0x3  }
0x31: {  	s23 =	simm.s32 $0x200;
	v3 =	vperm.xlane v3, v2  }
0x32: {  	[tilespmem:s23], [sflag:$0x1] =	stream.indirect_vreg.gather [hbm4b:s1+s5], $0x80, v4, vm0, $0xb8;
	[tilespmem:$0x18200] =	vst v63  }
0x33: {  	s24 =	simm.s32 $0xA00;
	v3 =	vadd.s32 v1, v3  }
0x34: {  	[tilespmem:s24], [sflag:$0x1] =	stream.indirect_vreg.gather [hbm4b:s9+s5], $0x80, v4, vm0, $0xb8;
	[tilespmem:$0x18200] =	vst v63  }
0x35: {  	s2 =	simm.s32 $0x1200  }
0x36: {  	[tilespmem:s2], [sflag:$0x1] =	stream.indirect_vreg.gather [hbm4b:s10+s5], $0x80, v4, vm0, $0xb8;
	[tilespmem:$0x18200] =	vst v63  }
0x37: {  	s4 =	simm.s32 $0x1A00  }
0x38: {  	[tilespmem:s4], [sflag:$0x1] =	stream.indirect_vreg.gather [hbm4b:s1+s5], $0x80, v3, vm0, $0xb8;
	[tilespmem:$0x18200] =	vst v63  }
0x39: {  	s8 =	simm.s32 $0x2200  }
0x3a: {  	[tilespmem:s8], [sflag:$0x1] =	stream.indirect_vreg.gather [hbm4b:s9+s5], $0x80, v3, vm0, $0xb8;
	[tilespmem:$0x18200] =	vst v63  }
0x3b: {  	s17 =	simm.s32 $0x2A00  }
0x3c: {  	[tilespmem:s17], [sflag:$0x1] =	stream.indirect_vreg.gather [hbm4b:s10+s5], $0x80, v3, vm0, $0xb8;
	[tilespmem:$0x18200] =	vst v63  }
0x3d: {  	s20 =	simm.s32 $0x6;
	s18 =	rddreg [dreg:$0x6]  }
0x3e: {  	[tilespmem:s31], [sflag:$0x6] =	stream.linear.gather [hbm4b:s18+s5], $0x80, $0x38;
	[tilespmem:$0x18200] =	vst v63  }
0x3f: {  	_ =	swait.ge [sflag:s20], $0x80  }
0x40: {  	[sflag:s20] =	ssyncset.done $0x0  }
0x41: {  	[sflag:s20] =	ssyncadd.s32 $0xFFFFFF80  }
0x42: {  	v3 =	vld [tilespmem:$0x80];
	_ =	sdelay $0x4  }
0x43: {  	v62 =	vshrl.u32 v3, $0x3  }
0x44: {  	v4 =	vmul.u32 $0x30, v62  }
0x45: {  	v3 =	vand.u32 $0x7, v3  }
0x46: {  	v3 =	vor.u32 v3, v4  }
0x47: {  	v4 =	vperm.xlane v3, v0;
	_ =	sdelay $0x1  }
0x48: {  	v4 =	vadd.s32 v1, v4;
	_ =	sdelay $0x3  }
0x49: {  	s22 =	simm.s32 $0x3200;
	v3 =	vperm.xlane v3, v2  }
0x4a: {  	[tilespmem:s22], [sflag:$0x2] =	stream.indirect_vreg.gather [hbm4b:s1+s5], $0x80, v4, vm0, $0xb8;
	[tilespmem:$0x18200] =	vst v63  }
0x4b: {  	s23 =	simm.s32 $0x3A00;
	v3 =	vadd.s32 v1, v3  }
0x4c: {  	[tilespmem:s23], [sflag:$0x2] =	stream.indirect_vreg.gather [hbm4b:s9+s5], $0x80, v4, vm0, $0xb8;
	[tilespmem:$0x18200] =	vst v63  }
0x4d: {  	s24 =	simm.s32 $0x4200  }
0x4e: {  	[tilespmem:s24], [sflag:$0x2] =	stream.indirect_vreg.gather [hbm4b:s10+s5], $0x80, v4, vm0, $0xb8;
	[tilespmem:$0x18200] =	vst v63  }
0x4f: {  	s2 =	simm.s32 $0x4A00  }
0x50: {  	[tilespmem:s2], [sflag:$0x2] =	stream.indirect_vreg.gather [hbm4b:s1+s5], $0x80, v3, vm0, $0xb8;
	[tilespmem:$0x18200] =	vst v63  }
0x51: {  	s4 =	simm.s32 $0x5200  }
0x52: {  	[tilespmem:s4], [sflag:$0x2] =	stream.indirect_vreg.gather [hbm4b:s9+s5], $0x80, v3, vm0, $0xb8;
	[tilespmem:$0x18200] =	vst v63  }
0x53: {  	s8 =	simm.s32 $0x5A00  }
0x54: {  	[tilespmem:s8], [sflag:$0x2] =	stream.indirect_vreg.gather [hbm4b:s10+s5], $0x80, v3, vm0, $0xb8;
	[tilespmem:$0x18200] =	vst v63  }
0x55: {  	s18 =	simm.s32 $0x100;
	s17 =	rddreg [dreg:$0x7]  }
0x56: {  	[tilespmem:s18], [sflag:$0x7] =	stream.linear.gather [hbm4b:s17+s5], $0x80, $0x38;
	[tilespmem:$0x18200] =	vst v63  }
0x57: {  	_ =	swait.ge [sflag:s19], $0x80  }
0x58: {  	[sflag:s19] =	ssyncset.done $0x0  }
0x59: {  	[sflag:s19] =	ssyncadd.s32 $0xFFFFFF80  }
0x5a: {  	v3 =	vld [tilespmem:$0x100];
	_ =	sdelay $0x4  }
0x5b: {  	v63 =	vshrl.u32 v3, $0x3  }
0x5c: {  	v4 =	vmul.u32 $0x30, v63  }
0x5d: {  	v3 =	vand.u32 $0x7, v3  }
0x5e: {  	v3 =	vor.u32 v3, v4  }
0x5f: {  	v4 =	vperm.xlane v3, v0;
	_ =	sdelay $0x1  }
0x60: {  	v4 =	vadd.s32 v1, v4;
	_ =	sdelay $0x3  }
0x61: {  	v3 =	vperm.xlane v3, v2  }
0x62: {  	[tilespmem:s25], [sflag:$0x3] =	stream.indirect_vreg.gather [hbm4b:s1+s5], $0x80, v4, vm0, $0xb8;
	[tilespmem:$0x18200] =	vst v63  }
0x63: {  	v3 =	vadd.s32 v1, v3  }
0x64: {  	[tilespmem:s30], [sflag:$0x3] =	stream.indirect_vreg.gather [hbm4b:s9+s5], $0x80, v4, vm0, $0xb8;
	[tilespmem:$0x18200] =	vst v63  }
0x65: {  	s20 =	simm.s32 $0x7200  }
0x66: {  	[tilespmem:s20], [sflag:$0x3] =	stream.indirect_vreg.gather [hbm4b:s10+s5], $0x80, v4, vm0, $0xb8;
	[tilespmem:$0x18200] =	vst v63  }
0x67: {  	s22 =	simm.s32 $0x7A00  }
0x68: {  	[tilespmem:s22], [sflag:$0x3] =	stream.indirect_vreg.gather [hbm4b:s1+s5], $0x80, v3, vm0, $0xb8;
	[tilespmem:$0x18200] =	vst v63  }
0x69: {  	s23 =	simm.s32 $0x8200  }
0x6a: {  	[tilespmem:s23], [sflag:$0x3] =	stream.indirect_vreg.gather [hbm4b:s9+s5], $0x80, v3, vm0, $0xb8;
	[tilespmem:$0x18200] =	vst v63  }
0x6b: {  	s24 =	simm.s32 $0x8A00  }
0x6c: {  	[tilespmem:s24], [sflag:$0x3] =	stream.indirect_vreg.gather [hbm4b:s10+s5], $0x80, v3, vm0, $0xb8;
	[tilespmem:$0x18200] =	vst v63  }
0x6d: {  	s17 =	simm.s32 $0x0;
	s25 =	rddreg [dreg:$0x9];
	s30 =	simm.s32 $0x180  }
0x6e: {  	[tilespmem:s30], [sflag:$0x8] =	stream.linear.gather [hbm4b:s25+s5], $0x80, $0x38;
	[tilespmem:$0x18200] =	vst v63  }
.LBB2_2:
0x6f: {  	s8 =	sshll.u32 s17, $0x2;
	p0 =	seq.s32 s17, $0x7F  }
0x70: {  	s0 =	sadd.s32 @!p0 $0x4, s8  }
0x71: {  	_ =	swait.ge [sflag:s26], $0x3000;
	s18 =	sadd.s32 @!p0 s7, s0;
	s0 =	sshll.u32 @!p0 s0, $0x4  }
0x72: {  	s30 =	sshll.u32 s17, $0x1;
	s18 =	sshll.u32 @!p0 s18, $0x4;
	s0 =	sand.u32 @!p0 $0x40, s0  }
0x73: {  	[sflag:s26] =	ssyncset.done $0x0;
	s18 =	sand.u32 @!p0 $0xFFFFF80, s18;
	s0 =	sadd.s32 @!p0 s6, s0  }
0x74: {  	[sflag:s26] =	ssyncadd.s32 $0xFFFFD000;
	s0 =	sadd.s32 @!p0 s18, s0;
	s18 =	simm.s32 @!p0 $0x0  }
0x75: {  	[tilespmem:s18], [sflag:$0x5] =	stream.linear.gather @!p0 [hbm4b:s0+s18], $0x80, $0x38;
	[tilespmem:$0x18200] =	vst v63  }
0x76: {  	s2 =	rddreg [dreg:$0xf];
	s0 =	sand.u32 $0x380, s30  }
0x77: {  	s0 =	sadd.s32 s0, s2  }
0x78: {  	s22 =	simm.s32 $0x0;
	s2 =	rddreg [dreg:$0xa];
	s18 =	sand.u32 $0x380, s0  }
0x79: {  	s4 =	sand.u32 $0x1C00, s22;
	s20 =	sadd.s32 s18, s2  }
0x7a: {  	s23 =	sand.u32 $0x70, s22;
	s24 =	sadd.s32 s4, s20  }
0x7b: {  	s24 =	sadd.s32 s23, s24  }
0x7c: {  	v3 =	vld [tilespmem:s24+$0x0];
	_ =	sdelay $0x2  }
0x7d: {  	s0 =	sor.u32 s23, s4  }
0x7e: {  	s23 =	sor.u32 $0x200, s0  }
0x7f: {  	s24 =	sor.u32 $0x280, s0;
	[tilespmem:s23+$0x0] =	vst.add.f32.msk $0xffff, v3  }
0x80: {  	s25 =	sor.u32 $0x300, s0;
	[tilespmem:s24+$0x0] =	vst.add.f32.msk $0xffff, v3  }
0x81: {  	s30 =	sor.u32 $0x380, s0;
	[tilespmem:s25+$0x0] =	vst.add.f32.msk $0xffff, v3  }
0x82: {  	[tilespmem:s30+$0x0] =	vst.add.f32.msk $0xffff, v3  }
0x83: {  	[tilespmem:s0+$0x500] =	vst.add.f32.msk $0xffff, v3  }
0x84: {  	s23 =	simm.s32 $0x10;
	s24 =	sor.u32 s22, s22;
	[tilespmem:s0+$0x400] =	vst.add.f32.msk $0xffff, v3  }
.LBB2_3:
0x85: {  	p1 =	sne.s32 s23, $0x2F0;
	[tilespmem:s0+$0x480] =	vst.add.f32.msk $0xffff, v3;
	s24 =	sor.u32 $0x380, s24;
	s22 =	sadd.s32 $0x80, s22  }
0x86: {  	[tilespmem:s24+$0x200] =	vst.add.f32.msk $0xffff, v3;
	s24 =	smov.u32 s23;
	s23 =	sadd.s32 $0x10, s23  }
0x87: {  	[tilespmem:s0+$0x1A00] =	vst.add.f32.msk $0xffff, v3  }
0x88: {  	[tilespmem:s0+$0x1D80] =	vst.add.f32.msk $0xffff, v3  }
0x89: {  	[tilespmem:s0+$0x1D00] =	vst.add.f32.msk $0xffff, v3  }
0x8a: {  	[tilespmem:s0+$0x1C80] =	vst.add.f32.msk $0xffff, v3  }
0x8b: {  	[tilespmem:s0+$0x1C00] =	vst.add.f32.msk $0xffff, v3  }
0x8c: {  	s25 =	sand.u32 $0x1C00, s22;
	[tilespmem:s0+$0x1B80] =	vst.add.f32.msk $0xffff, v3  }
0x8d: {  	s30 =	sand.u32 $0x70, s24;
	s4 =	sadd.s32 s25, s20;
	[tilespmem:s0+$0x1B00] =	vst.add.f32.msk $0xffff, v3  }
0x8e: {  	s4 =	sadd.s32 s30, s4;
	[tilespmem:s0+$0x1A80] =	vst.add.f32.msk $0xffff, v3  }
0x8f: {  	v3 =	vld [tilespmem:s4+$0x0];
	_ =	sdelay $0x2  }
0x90: {  	s0 =	sor.u32 s30, s25  }
0x91: {  	s4 =	sor.u32 $0x200, s0  }
0x92: {  	[tilespmem:s4+$0x0] =	vst.add.f32.msk $0xffff, v3;
	s4 =	sor.u32 $0x280, s0  }
.Ltmp2:
0x93: {  	[tilespmem:s4+$0x0] =	vst.add.f32.msk $0xffff, v3;
	s4 =	sor.u32 $0x300, s0;
	(pc) =	sbr.rel @p1 .LBB2_3-.Ltmp2, $4  }
0x94: {  	[tilespmem:s4+$0x0] =	vst.add.f32.msk $0xffff, v3;
	s4 =	sor.u32 $0x380, s0  }
0x95: {  	[tilespmem:s4+$0x0] =	vst.add.f32.msk $0xffff, v3  }
0x96: {  	[tilespmem:s0+$0x500] =	vst.add.f32.msk $0xffff, v3  }
0x97: {  	s24 =	sor.u32 s22, s24;
	[tilespmem:s0+$0x400] =	vst.add.f32.msk $0xffff, v3  }
0x98: {  	[tilespmem:s0+$0x480] =	vst.add.f32.msk $0xffff, v3;
	s4 =	sor.u32 $0x380, s24  }
0x99: {  	[tilespmem:s4+$0x200] =	vst.add.f32.msk $0xffff, v3  }
0x9a: {  	[tilespmem:s0+$0x1A00] =	vst.add.f32.msk $0xffff, v3  }
0x9b: {  	[tilespmem:s0+$0x1D80] =	vst.add.f32.msk $0xffff, v3  }
0x9c: {  	s25 =	sand.u32 $0xFC, s8;
	[tilespmem:s0+$0x1D00] =	vst.add.f32.msk $0xffff, v3  }
0x9d: {  	s2 =	rddreg [dreg:$0x8];
	s22 =	smul.u32 $0xC0000, s25;
	[tilespmem:s0+$0x1C80] =	vst.add.f32.msk $0xffff, v3  }
0x9e: {  	s2 =	sor.u32 s2, s18;
	[tilespmem:s0+$0x1C00] =	vst.add.f32.msk $0xffff, v3  }
0x9f: {  	[tilespmem:s0+$0x1B80] =	vst.add.f32.msk $0xffff, v3;
	s4 =	sor.u32 s22, s2  }
0xa0: {  	[tilespmem:s0+$0x1B00] =	vst.add.f32.msk $0xffff, v3;
	s23 =	sshrl.u32 s4, $0x3  }
0xa1: {  	[tilespmem:s0+$0x1A80] =	vst.add.f32.msk $0xffff, v3;
	s4 =	simm.s32 $0x200;
	s0 =	sadd.s32 s3, s23  }
0xa2: {  	[hbm4b:s0+s31] =	stream.strided.scatter [tilespmem:s4], [sflag:$0x9], $0x400, s28, s31, $0x38;
	[tilespmem:$0x18200] =	vst v63  }
0xa3: {  	s25 =	simm.s32 $0x600;
	s24 =	sadd.s32 $0x80, s0  }
0xa4: {  	[hbm4b:s24+s31] =	stream.strided.scatter [tilespmem:s25], [sflag:$0x9], $0x400, s28, s31, $0x38;
	[tilespmem:$0x18200] =	vst v63  }
0xa5: {  	s24 =	sadd.s32 $0x100, s0;
	s25 =	simm.s32 $0xA00  }
0xa6: {  	[hbm4b:s24+s31] =	stream.strided.scatter [tilespmem:s25], [sflag:$0x9], $0x400, s28, s31, $0x38;
	[tilespmem:$0x18200] =	vst v63  }
0xa7: {  	s24 =	sadd.s32 $0x180, s0;
	s25 =	simm.s32 $0xE00  }
0xa8: {  	[hbm4b:s24+s31] =	stream.strided.scatter [tilespmem:s25], [sflag:$0x9], $0x400, s28, s31, $0x38;
	[tilespmem:$0x18200] =	vst v63  }
0xa9: {  	s24 =	sadd.s32 $0x200, s0;
	s25 =	simm.s32 $0x1200  }
0xaa: {  	[hbm4b:s24+s31] =	stream.strided.scatter [tilespmem:s25], [sflag:$0x9], $0x400, s28, s31, $0x38;
	[tilespmem:$0x18200] =	vst v63  }
0xab: {  	s24 =	sadd.s32 $0x280, s0;
	s25 =	simm.s32 $0x1600  }
0xac: {  	[hbm4b:s24+s31] =	stream.strided.scatter [tilespmem:s25], [sflag:$0x9], $0x400, s28, s31, $0x38;
	[tilespmem:$0x18200] =	vst v63  }
0xad: {  	s24 =	sadd.s32 $0xC000, s0;
	s25 =	simm.s32 $0x1A00  }
0xae: {  	[hbm4b:s24+s31] =	stream.strided.scatter [tilespmem:s25], [sflag:$0x9], $0x400, s28, s31, $0x38;
	[tilespmem:$0x18200] =	vst v63  }
0xaf: {  	s24 =	sadd.s32 $0xC080, s0;
	s25 =	simm.s32 $0x1E00  }
0xb0: {  	[hbm4b:s24+s31] =	stream.strided.scatter [tilespmem:s25], [sflag:$0x9], $0x400, s28, s31, $0x38;
	[tilespmem:$0x18200] =	vst v63  }
0xb1: {  	s24 =	sadd.s32 $0xC100, s0;
	s25 =	simm.s32 $0x2200  }
0xb2: {  	[hbm4b:s24+s31] =	stream.strided.scatter [tilespmem:s25], [sflag:$0x9], $0x400, s28, s31, $0x38;
	[tilespmem:$0x18200] =	vst v63  }
0xb3: {  	s24 =	sadd.s32 $0xC180, s0;
	s25 =	simm.s32 $0x2600  }
0xb4: {  	[hbm4b:s24+s31] =	stream.strided.scatter [tilespmem:s25], [sflag:$0x9], $0x400, s28, s31, $0x38;
	[tilespmem:$0x18200] =	vst v63  }
0xb5: {  	s24 =	sadd.s32 $0xC200, s0;
	s25 =	simm.s32 $0x2A00  }
0xb6: {  	[hbm4b:s24+s31] =	stream.strided.scatter [tilespmem:s25], [sflag:$0x9], $0x400, s28, s31, $0x38;
	[tilespmem:$0x18200] =	vst v63  }
0xb7: {  	p1 =	seq.s32 s17, $0x0;
	s4 =	simm.s32 $0x2E00;
	s0 =	sadd.s32 $0xC280, s0  }
0xb8: {  	[hbm4b:s0+s31] =	stream.strided.scatter [tilespmem:s4], [sflag:$0x9], $0x400, s28, s31, $0x38;
	[tilespmem:$0x18200] =	vst v63  }
0xb9: {  	s0 =	simm.s32 @!p1 $0xC  }
0xba: {  	_ =	swait.ge @!p1 [sflag:s0], $0x3000  }
0xbb: {  	[sflag:s0] =	ssyncset.done @!p1 $0x0  }
0xbc: {  	[sflag:s0] =	ssyncadd.s32 @!p1 $0xFFFFD000  }
0xbd: {  	_ =	swait.ge [sflag:s29], $0x80  }
0xbe: {  	[sflag:s29] =	ssyncset.done $0x0  }
0xbf: {  	[sflag:s29] =	ssyncadd.s32 $0xFFFFFF80  }
0xc0: {  	v3 =	vld [tilespmem:$0x180];
	_ =	sdelay $0x4  }
0xc1: {  	v4 =	vshrl.u32 v3, $0x3  }
0xc2: {  	v4 =	vmul.u32 $0x30, v4  }
0xc3: {  	v3 =	vand.u32 $0x7, v3  }
0xc4: {  	v3 =	vor.u32 v3, v4  }
0xc5: {  	v4 =	vperm.xlane v3, v0;
	_ =	sdelay $0x1  }
0xc6: {  	v4 =	vadd.s32 v1, v4;
	_ =	sdelay $0x3  }
0xc7: {  	v3 =	vperm.xlane v3, v2  }
0xc8: {  	[tilespmem:s21], [sflag:$0x4] =	stream.indirect_vreg.gather [hbm4b:s1+s5], $0x80, v4, vm0, $0xb8;
	[tilespmem:$0x18200] =	vst v63  }
0xc9: {  	v3 =	vadd.s32 v1, v3;
	s21 =	simm.s32 $0x9A00  }
0xca: {  	[tilespmem:s21], [sflag:$0x4] =	stream.indirect_vreg.gather [hbm4b:s9+s5], $0x80, v4, vm0, $0xb8;
	[tilespmem:$0x18200] =	vst v63  }
0xcb: {  	s24 =	simm.s32 $0xA200  }
0xcc: {  	[tilespmem:s24], [sflag:$0x4] =	stream.indirect_vreg.gather [hbm4b:s10+s5], $0x80, v4, vm0, $0xb8;
	[tilespmem:$0x18200] =	vst v63  }
0xcd: {  	s25 =	simm.s32 $0xAA00;
	s0 =	sadd.s32 @!p0 $0x5, s8  }
0xce: {  	[tilespmem:s25], [sflag:$0x4] =	stream.indirect_vreg.gather [hbm4b:s1+s5], $0x80, v3, vm0, $0xb8;
	[tilespmem:$0x18200] =	vst v63  }
0xcf: {  	s4 =	sadd.s32 @!p0 s7, s0;
	s0 =	sshll.u32 @!p0 s0, $0x4  }
0xd0: {  	[tilespmem:s11], [sflag:$0x4] =	stream.indirect_vreg.gather [hbm4b:s9+s5], $0x80, v3, vm0, $0xb8;
	[tilespmem:$0x18200] =	vst v63  }
0xd1: {  	s4 =	sshll.u32 @!p0 s4, $0x4;
	s0 =	sand.u32 @!p0 $0x50, s0  }
0xd2: {  	[tilespmem:s12], [sflag:$0x4] =	stream.indirect_vreg.gather [hbm4b:s10+s5], $0x80, v3, vm0, $0xb8;
	[tilespmem:$0x18200] =	vst v63  }
0xd3: {  	s4 =	sand.u32 @!p0 $0xFFFFF80, s4;
	s0 =	sadd.s32 @!p0 s6, s0;
	_ =	swait.ge [sflag:s14], $0x3000  }
0xd4: {  	s0 =	sadd.s32 @!p0 s4, s0;
	[sflag:s14] =	ssyncset.done $0x0  }
0xd5: {  	s4 =	simm.s32 @!p0 $0x0;
	s24 =	simm.s32 @!p0 $0x80;
	[sflag:s14] =	ssyncadd.s32 $0xFFFFD000  }
0xd6: {  	[tilespmem:s24], [sflag:$0x6] =	stream.linear.gather @!p0 [hbm4b:s0+s4], $0x80, $0x38;
	[tilespmem:$0x18200] =	vst v63  }
0xd7: {  	s0 =	simm.s32 $0x0  }
0xd8: {  	s2 =	sand.u32 $0x1C00, s0  }
0xd9: {  	s21 =	sand.u32 $0x70, s0;
	s25 =	sadd.s32 s2, s20  }
0xda: {  	s25 =	sadd.s32 s21, s25  }
0xdb: {  	v3 =	vld [tilespmem:s25+$0x0];
	_ =	sdelay $0x3  }
0xdc: {  	s24 =	sor.u32 s21, s2  }
0xdd: {  	s30 =	simm.s32 $0x10;
	s25 =	simm.s32 $0x0;
	[tilespmem:s24+$0x3200] =	vst.add.f32.msk $0xffff, v3  }
.LBB2_5:
0xde: {  	p1 =	sne.s32 s30, $0x2F0;
	[tilespmem:s24+$0x3280] =	vst.add.f32.msk $0xffff, v3  }
0xdf: {  	[tilespmem:s24+$0x3300] =	vst.add.f32.msk $0xffff, v3  }
0xe0: {  	[tilespmem:s24+$0x3380] =	vst.add.f32.msk $0xffff, v3  }
0xe1: {  	[tilespmem:s24+$0x3400] =	vst.add.f32.msk $0xffff, v3  }
0xe2: {  	s4 =	sor.u32 s25, s0;
	s0 =	smov.u32 s30;
	[tilespmem:s24+$0x3480] =	vst.add.f32.msk $0xffff, v3  }
0xe3: {  	s4 =	sor.u32 $0x380, s4;
	[tilespmem:s24+$0x3500] =	vst.add.f32.msk $0xffff, v3  }
0xe4: {  	[tilespmem:s4+$0x3200] =	vst.add.f32.msk $0xffff, v3  }
0xe5: {  	[tilespmem:s24+$0x4A00] =	vst.add.f32.msk $0xffff, v3  }
0xe6: {  	[tilespmem:s24+$0x4A80] =	vst.add.f32.msk $0xffff, v3  }
0xe7: {  	[tilespmem:s24+$0x4B00] =	vst.add.f32.msk $0xffff, v3  }
0xe8: {  	[tilespmem:s24+$0x4B80] =	vst.add.f32.msk $0xffff, v3  }
0xe9: {  	s25 =	sadd.s32 $0x80, s25;
	[tilespmem:s24+$0x4C00] =	vst.add.f32.msk $0xffff, v3  }
0xea: {  	s4 =	sand.u32 $0x1C00, s25;
	[tilespmem:s24+$0x4C80] =	vst.add.f32.msk $0xffff, v3  }
0xeb: {  	s2 =	sand.u32 $0x70, s30;
	s21 =	sadd.s32 s4, s20;
	[tilespmem:s24+$0x4D00] =	vst.add.f32.msk $0xffff, v3  }
0xec: {  	s21 =	sadd.s32 s2, s21;
	[tilespmem:s24+$0x4D80] =	vst.add.f32.msk $0xffff, v3  }
0xed: {  	v3 =	vld [tilespmem:s21+$0x0]  }
.Ltmp3:
0xee: {  	(pc) =	sbr.rel @p1 .LBB2_5-.Ltmp3, $3  }
0xef: {  	_ =	sdelay $0x1  }
0xf0: {  	s24 =	sor.u32 s2, s4  }
0xf1: {  	s30 =	sadd.s32 $0x10, s30;
	[tilespmem:s24+$0x3200] =	vst.add.f32.msk $0xffff, v3  }
0xf2: {  	[tilespmem:s24+$0x3280] =	vst.add.f32.msk $0xffff, v3  }
0xf3: {  	[tilespmem:s24+$0x3300] =	vst.add.f32.msk $0xffff, v3  }
0xf4: {  	[tilespmem:s24+$0x3380] =	vst.add.f32.msk $0xffff, v3  }
0xf5: {  	[tilespmem:s24+$0x3400] =	vst.add.f32.msk $0xffff, v3  }
0xf6: {  	[tilespmem:s24+$0x3480] =	vst.add.f32.msk $0xffff, v3;
	s0 =	sor.u32 s25, s0  }
0xf7: {  	[tilespmem:s24+$0x3500] =	vst.add.f32.msk $0xffff, v3;
	s0 =	sor.u32 $0x380, s0  }
0xf8: {  	[tilespmem:s0+$0x3200] =	vst.add.f32.msk $0xffff, v3  }
0xf9: {  	[tilespmem:s24+$0x4A00] =	vst.add.f32.msk $0xffff, v3  }
0xfa: {  	[tilespmem:s24+$0x4A80] =	vst.add.f32.msk $0xffff, v3  }
0xfb: {  	[tilespmem:s24+$0x4B00] =	vst.add.f32.msk $0xffff, v3  }
0xfc: {  	[tilespmem:s24+$0x4B80] =	vst.add.f32.msk $0xffff, v3  }
0xfd: {  	[tilespmem:s24+$0x4C00] =	vst.add.f32.msk $0xffff, v3  }
0xfe: {  	[tilespmem:s24+$0x4C80] =	vst.add.f32.msk $0xffff, v3  }
0xff: {  	s25 =	rddreg [dreg:$0xb];
	[tilespmem:s24+$0x4D00] =	vst.add.f32.msk $0xffff, v3  }
0x100: {  	s2 =	simm.s32 $0x3200;
	s0 =	sadd.s32 s23, s25;
	[tilespmem:s24+$0x4D80] =	vst.add.f32.msk $0xffff, v3  }
0x101: {  	[hbm4b:s0+s31] =	stream.strided.scatter [tilespmem:s2], [sflag:$0xA], $0x400, s28, s31, $0x38;
	[tilespmem:$0x18200] =	vst v63  }
0x102: {  	s4 =	simm.s32 $0x3600;
	s30 =	sadd.s32 $0x80, s0  }
0x103: {  	[hbm4b:s30+s31] =	stream.strided.scatter [tilespmem:s4], [sflag:$0xA], $0x400, s28, s31, $0x38;
	[tilespmem:$0x18200] =	vst v63  }
0x104: {  	s21 =	simm.s32 $0x3A00;
	s4 =	sadd.s32 $0x100, s0  }
0x105: {  	[hbm4b:s4+s31] =	stream.strided.scatter [tilespmem:s21], [sflag:$0xA], $0x400, s28, s31, $0x38;
	[tilespmem:$0x18200] =	vst v63  }
0x106: {  	s23 =	sadd.s32 $0x180, s0;
	s24 =	simm.s32 $0x3E00  }
0x107: {  	[hbm4b:s23+s31] =	stream.strided.scatter [tilespmem:s24], [sflag:$0xA], $0x400, s28, s31, $0x38;
	[tilespmem:$0x18200] =	vst v63  }
0x108: {  	s25 =	sadd.s32 $0x200, s0;
	s30 =	simm.s32 $0x4200  }
0x109: {  	[hbm4b:s25+s31] =	stream.strided.scatter [tilespmem:s30], [sflag:$0xA], $0x400, s28, s31, $0x38;
	[tilespmem:$0x18200] =	vst v63  }
0x10a: {  	s4 =	sadd.s32 $0x280, s0;
	s21 =	simm.s32 $0x4600  }
0x10b: {  	[hbm4b:s4+s31] =	stream.strided.scatter [tilespmem:s21], [sflag:$0xA], $0x400, s28, s31, $0x38;
	[tilespmem:$0x18200] =	vst v63  }
0x10c: {  	s23 =	sadd.s32 $0xC000, s0;
	s24 =	simm.s32 $0x4A00  }
0x10d: {  	[hbm4b:s23+s31] =	stream.strided.scatter [tilespmem:s24], [sflag:$0xA], $0x400, s28, s31, $0x38;
	[tilespmem:$0x18200] =	vst v63  }
0x10e: {  	s25 =	sadd.s32 $0xC080, s0;
	s30 =	simm.s32 $0x4E00  }
0x10f: {  	[hbm4b:s25+s31] =	stream.strided.scatter [tilespmem:s30], [sflag:$0xA], $0x400, s28, s31, $0x38;
	[tilespmem:$0x18200] =	vst v63  }
0x110: {  	s4 =	sadd.s32 $0xC100, s0;
	s21 =	simm.s32 $0x5200  }
0x111: {  	[hbm4b:s4+s31] =	stream.strided.scatter [tilespmem:s21], [sflag:$0xA], $0x400, s28, s31, $0x38;
	[tilespmem:$0x18200] =	vst v63  }
0x112: {  	s23 =	sadd.s32 $0xC180, s0;
	s24 =	simm.s32 $0x5600  }
0x113: {  	[hbm4b:s23+s31] =	stream.strided.scatter [tilespmem:s24], [sflag:$0xA], $0x400, s28, s31, $0x38;
	[tilespmem:$0x18200] =	vst v63  }
0x114: {  	s25 =	sadd.s32 $0xC200, s0;
	s30 =	simm.s32 $0x5A00  }
0x115: {  	[hbm4b:s25+s31] =	stream.strided.scatter [tilespmem:s30], [sflag:$0xA], $0x400, s28, s31, $0x38;
	[tilespmem:$0x18200] =	vst v63  }
0x116: {  	s0 =	sadd.s32 $0xC280, s0;
	s4 =	simm.s32 $0x5E00  }
0x117: {  	[hbm4b:s0+s31] =	stream.strided.scatter [tilespmem:s4], [sflag:$0xA], $0x400, s28, s31, $0x38;
	[tilespmem:$0x18200] =	vst v63  }
0x118: {  	_ =	swait.ge [sflag:s13], $0x3000  }
0x119: {  	p1 =	sne.s32 s17, $0x7F;
	[sflag:s13] =	ssyncset.done $0x0  }
0x11a: {  	s0 =	simm.s32 @p1 $0x5;
	[sflag:s13] =	ssyncadd.s32 $0xFFFFD000  }
0x11b: {  	_ =	swait.ge @p1 [sflag:s0], $0x80  }
0x11c: {  	[sflag:s0] =	ssyncset.done @p1 $0x0  }
0x11d: {  	[sflag:s0] =	ssyncadd.s32 @p1 $0xFFFFFF80  }
0x11e: {  	v3 =	vld @p1 [tilespmem:$0x0];
	_ =	sdelay $0x4  }
0x11f: {  	v4 =	vshrl.u32 @p1 v3, $0x3  }
0x120: {  	v4 =	vmul.u32 @p1 $0x30, v4  }
0x121: {  	v5 =	vlaneseq.u32 @p1;
	v3 =	vand.u32 @p1 $0x7, v3  }
0x122: {  	v6 =	vshrl.u32 @p1 v5, $0x3;
	v3 =	vor.u32 @p1 v3, v4;
	v4 =	vand.u32 @p1 $0x7, v5  }
0x123: {  	v6 =	vmul.u32 @p1 $0x8, v6;
	v4 =	vperm.xlane @p1 v3, v4;
	_ =	sdelay $0x1  }
0x124: {  	v4 =	vadd.s32 @p1 v6, v4;
	_ =	sdelay $0x2  }
0x125: {  	v5 =	vor.u32 @p1 $0x8, v5  }
0x126: {  	vm1 =	vmmov @p1 $0xffff;
	s2 =	simm.s32 @p1 $0x200;
	s0 =	simm.s32 @p1 $0x0;
	v3 =	vperm.xlane @p1 v3, v5  }
0x127: {  	[tilespmem:s2], [sflag:$0x1] =	stream.indirect_vreg.gather @p1 [hbm4b:s1+s0], $0x80, v4, vm1, $0xb8;
	[tilespmem:$0x18200] =	vst v63  }
0x128: {  	v3 =	vadd.s32 @p1 v6, v3;
	s2 =	simm.s32 @p1 $0xA00  }
0x129: {  	[tilespmem:s2], [sflag:$0x1] =	stream.indirect_vreg.gather @p1 [hbm4b:s9+s0], $0x80, v4, vm1, $0xb8;
	[tilespmem:$0x18200] =	vst v63  }
0x12a: {  	s2 =	simm.s32 @p1 $0x1200  }
0x12b: {  	[tilespmem:s2], [sflag:$0x1] =	stream.indirect_vreg.gather @p1 [hbm4b:s10+s0], $0x80, v4, vm1, $0xb8;
	[tilespmem:$0x18200] =	vst v63  }
0x12c: {  	s2 =	simm.s32 @p1 $0x1A00  }
0x12d: {  	[tilespmem:s2], [sflag:$0x1] =	stream.indirect_vreg.gather @p1 [hbm4b:s1+s0], $0x80, v3, vm1, $0xb8;
	[tilespmem:$0x18200] =	vst v63  }
0x12e: {  	s2 =	simm.s32 @p1 $0x2200  }
0x12f: {  	[tilespmem:s2], [sflag:$0x1] =	stream.indirect_vreg.gather @p1 [hbm4b:s9+s0], $0x80, v3, vm1, $0xb8;
	[tilespmem:$0x18200] =	vst v63  }
0x130: {  	s2 =	simm.s32 @p1 $0x2A00  }
0x131: {  	[tilespmem:s2], [sflag:$0x1] =	stream.indirect_vreg.gather @p1 [hbm4b:s10+s0], $0x80, v3, vm1, $0xb8;
	[tilespmem:$0x18200] =	vst v63  }
0x132: {  	s2 =	sadd.s32 @p1 $0x6, s8  }
0x133: {  	s4 =	simm.s32 @p1 $0x3;
	s21 =	sadd.s32 @p1 s7, s2;
	s2 =	sshll.u32 @p1 s2, $0x4  }
0x134: {  	_ =	swait.ge @p1 [sflag:s4], $0x3000;
	s21 =	sshll.u32 @p1 s21, $0x4;
	s2 =	sand.u32 @p1 $0x60, s2  }
0x135: {  	[sflag:s4] =	ssyncset.done @p1 $0x0;
	s21 =	sand.u32 @p1 $0xFFFFF80, s21;
	s2 =	sadd.s32 @p1 s6, s2  }
0x136: {  	[sflag:s4] =	ssyncadd.s32 @p1 $0xFFFFD000;
	s4 =	simm.s32 @p1 $0x100;
	s2 =	sadd.s32 @p1 s21, s2  }
0x137: {  	[tilespmem:s4], [sflag:$0x7] =	stream.linear.gather @p1 [hbm4b:s2+s0], $0x80, $0x38;
	[tilespmem:$0x18200] =	vst v63  }
0x138: {  	s2 =	simm.s32 @!p1 $0x3;
	s0 =	simm.s32 $0x0  }
0x139: {  	_ =	swait.ge @!p1 [sflag:s2], $0x3000;
	s21 =	sand.u32 $0x1C00, s0  }
0x13a: {  	s24 =	sand.u32 $0x70, s0;
	[sflag:s2] =	ssyncset.done @!p1 $0x0;
	s25 =	sadd.s32 s21, s20  }
0x13b: {  	[sflag:s2] =	ssyncadd.s32 @!p1 $0xFFFFD000;
	s30 =	sadd.s32 s24, s25  }
0x13c: {  	v3 =	vld [tilespmem:s30+$0x0];
	_ =	sdelay $0x2  }
0x13d: {  	s23 =	sor.u32 s24, s21  }
0x13e: {  	s21 =	sor.u32 $0x6200, s23  }
0x13f: {  	s24 =	sor.u32 $0x6280, s23;
	[tilespmem:s21+$0x0] =	vst.add.f32.msk $0xffff, v3  }
0x140: {  	s25 =	sor.u32 $0x6300, s23;
	[tilespmem:s24+$0x0] =	vst.add.f32.msk $0xffff, v3  }
0x141: {  	s30 =	sor.u32 $0x6380, s23;
	[tilespmem:s25+$0x0] =	vst.add.f32.msk $0xffff, v3  }
0x142: {  	[tilespmem:s30+$0x0] =	vst.add.f32.msk $0xffff, v3  }
0x143: {  	[tilespmem:s23+$0x6500] =	vst.add.f32.msk $0xffff, v3  }
0x144: {  	s24 =	simm.s32 $0x10;
	s25 =	sor.u32 s0, s0;
	[tilespmem:s23+$0x6400] =	vst.add.f32.msk $0xffff, v3  }
.LBB2_7:
0x145: {  	p2 =	sne.s32 s24, $0x2F0;
	[tilespmem:s23+$0x6480] =	vst.add.f32.msk $0xffff, v3;
	s2 =	sor.u32 $0x380, s25;
	s0 =	sadd.s32 $0x80, s0  }
0x146: {  	[tilespmem:s2+$0x6200] =	vst.add.f32.msk $0xffff, v3;
	s2 =	smov.u32 s24;
	s24 =	sadd.s32 $0x10, s24  }
0x147: {  	[tilespmem:s23+$0x7A00] =	vst.add.f32.msk $0xffff, v3  }
0x148: {  	[tilespmem:s23+$0x7D80] =	vst.add.f32.msk $0xffff, v3  }
0x149: {  	[tilespmem:s23+$0x7D00] =	vst.add.f32.msk $0xffff, v3  }
0x14a: {  	[tilespmem:s23+$0x7C80] =	vst.add.f32.msk $0xffff, v3  }
0x14b: {  	[tilespmem:s23+$0x7C00] =	vst.add.f32.msk $0xffff, v3  }
0x14c: {  	s4 =	sand.u32 $0x1C00, s0;
	[tilespmem:s23+$0x7B80] =	vst.add.f32.msk $0xffff, v3  }
0x14d: {  	s21 =	sand.u32 $0x70, s2;
	s25 =	sadd.s32 s4, s20;
	[tilespmem:s23+$0x7B00] =	vst.add.f32.msk $0xffff, v3  }
0x14e: {  	s25 =	sadd.s32 s21, s25;
	[tilespmem:s23+$0x7A80] =	vst.add.f32.msk $0xffff, v3  }
0x14f: {  	v3 =	vld [tilespmem:s25+$0x0];
	_ =	sdelay $0x2  }
0x150: {  	s23 =	sor.u32 s21, s4  }
0x151: {  	s4 =	sor.u32 $0x6200, s23  }
0x152: {  	[tilespmem:s4+$0x0] =	vst.add.f32.msk $0xffff, v3;
	s4 =	sor.u32 $0x6280, s23  }
.Ltmp4:
0x153: {  	[tilespmem:s4+$0x0] =	vst.add.f32.msk $0xffff, v3;
	s4 =	sor.u32 $0x6300, s23;
	(pc) =	sbr.rel @p2 .LBB2_7-.Ltmp4, $4  }
0x154: {  	[tilespmem:s4+$0x0] =	vst.add.f32.msk $0xffff, v3;
	s4 =	sor.u32 $0x6380, s23  }
0x155: {  	[tilespmem:s4+$0x0] =	vst.add.f32.msk $0xffff, v3  }
0x156: {  	[tilespmem:s23+$0x6500] =	vst.add.f32.msk $0xffff, v3  }
0x157: {  	s25 =	sor.u32 s0, s2;
	[tilespmem:s23+$0x6400] =	vst.add.f32.msk $0xffff, v3  }
0x158: {  	[tilespmem:s23+$0x6480] =	vst.add.f32.msk $0xffff, v3;
	s0 =	sor.u32 $0x380, s25  }
0x159: {  	[tilespmem:s0+$0x6200] =	vst.add.f32.msk $0xffff, v3  }
0x15a: {  	[tilespmem:s23+$0x7A00] =	vst.add.f32.msk $0xffff, v3  }
0x15b: {  	[tilespmem:s23+$0x7D80] =	vst.add.f32.msk $0xffff, v3  }
0x15c: {  	[tilespmem:s23+$0x7D00] =	vst.add.f32.msk $0xffff, v3  }
0x15d: {  	s21 =	rddreg [dreg:$0xc];
	[tilespmem:s23+$0x7C80] =	vst.add.f32.msk $0xffff, v3  }
0x15e: {  	s0 =	sadd.s32 s21, s22;
	[tilespmem:s23+$0x7C00] =	vst.add.f32.msk $0xffff, v3  }
0x15f: {  	[tilespmem:s23+$0x7B80] =	vst.add.f32.msk $0xffff, v3;
	s0 =	sor.u32 s18, s0  }
0x160: {  	[tilespmem:s23+$0x7B00] =	vst.add.f32.msk $0xffff, v3;
	s0 =	sshrl.u32 s0, $0x3  }
0x161: {  	s25 =	simm.s32 $0x6200;
	[tilespmem:s23+$0x7A80] =	vst.add.f32.msk $0xffff, v3;
	s0 =	sadd.s32 s3, s0  }
0x162: {  	[hbm4b:s0+s31] =	stream.strided.scatter [tilespmem:s25], [sflag:$0xB], $0x400, s28, s31, $0x38;
	[tilespmem:$0x18200] =	vst v63  }
0x163: {  	s4 =	simm.s32 $0x6600;
	s2 =	sadd.s32 $0x80, s0  }
0x164: {  	[hbm4b:s2+s31] =	stream.strided.scatter [tilespmem:s4], [sflag:$0xB], $0x400, s28, s31, $0x38;
	[tilespmem:$0x18200] =	vst v63  }
0x165: {  	s30 =	simm.s32 $0x6A00;
	s24 =	sadd.s32 $0x100, s0  }
0x166: {  	[hbm4b:s24+s31] =	stream.strided.scatter [tilespmem:s30], [sflag:$0xB], $0x400, s28, s31, $0x38;
	[tilespmem:$0x18200] =	vst v63  }
0x167: {  	s21 =	simm.s32 $0x6E00;
	s4 =	sadd.s32 $0x180, s0  }
0x168: {  	[hbm4b:s4+s31] =	stream.strided.scatter [tilespmem:s21], [sflag:$0xB], $0x400, s28, s31, $0x38;
	[tilespmem:$0x18200] =	vst v63  }
0x169: {  	s23 =	sadd.s32 $0x200, s0;
	s24 =	simm.s32 $0x7200  }
0x16a: {  	[hbm4b:s23+s31] =	stream.strided.scatter [tilespmem:s24], [sflag:$0xB], $0x400, s28, s31, $0x38;
	[tilespmem:$0x18200] =	vst v63  }
0x16b: {  	s4 =	sadd.s32 $0x280, s0;
	s21 =	simm.s32 $0x7600  }
0x16c: {  	[hbm4b:s4+s31] =	stream.strided.scatter [tilespmem:s21], [sflag:$0xB], $0x400, s28, s31, $0x38;
	[tilespmem:$0x18200] =	vst v63  }
0x16d: {  	s23 =	sadd.s32 $0xC000, s0;
	s24 =	simm.s32 $0x7A00  }
0x16e: {  	[hbm4b:s23+s31] =	stream.strided.scatter [tilespmem:s24], [sflag:$0xB], $0x400, s28, s31, $0x38;
	[tilespmem:$0x18200] =	vst v63  }
0x16f: {  	s4 =	sadd.s32 $0xC080, s0;
	s21 =	simm.s32 $0x7E00  }
0x170: {  	[hbm4b:s4+s31] =	stream.strided.scatter [tilespmem:s21], [sflag:$0xB], $0x400, s28, s31, $0x38;
	[tilespmem:$0x18200] =	vst v63  }
0x171: {  	s23 =	sadd.s32 $0xC100, s0;
	s24 =	simm.s32 $0x8200  }
0x172: {  	[hbm4b:s23+s31] =	stream.strided.scatter [tilespmem:s24], [sflag:$0xB], $0x400, s28, s31, $0x38;
	[tilespmem:$0x18200] =	vst v63  }
0x173: {  	s4 =	sadd.s32 $0xC180, s0;
	s21 =	simm.s32 $0x8600  }
0x174: {  	[hbm4b:s4+s31] =	stream.strided.scatter [tilespmem:s21], [sflag:$0xB], $0x400, s28, s31, $0x38;
	[tilespmem:$0x18200] =	vst v63  }
0x175: {  	s23 =	sadd.s32 $0xC200, s0;
	s24 =	simm.s32 $0x8A00  }
0x176: {  	[hbm4b:s23+s31] =	stream.strided.scatter [tilespmem:s24], [sflag:$0xB], $0x400, s28, s31, $0x38;
	[tilespmem:$0x18200] =	vst v63  }
0x177: {  	s0 =	sadd.s32 $0xC280, s0;
	s4 =	simm.s32 $0x8E00  }
0x178: {  	[hbm4b:s0+s31] =	stream.strided.scatter [tilespmem:s4], [sflag:$0xB], $0x400, s28, s31, $0x38;
	[tilespmem:$0x18200] =	vst v63  }
0x179: {  	_ =	swait.ge [sflag:s15], $0x3000  }
0x17a: {  	[sflag:s15] =	ssyncset.done $0x0  }
0x17b: {  	s0 =	simm.s32 @p1 $0x6;
	[sflag:s15] =	ssyncadd.s32 $0xFFFFD000  }
0x17c: {  	_ =	swait.ge @p1 [sflag:s0], $0x80  }
0x17d: {  	[sflag:s0] =	ssyncset.done @p1 $0x0  }
0x17e: {  	[sflag:s0] =	ssyncadd.s32 @p1 $0xFFFFFF80  }
0x17f: {  	v3 =	vld @p1 [tilespmem:$0x80];
	_ =	sdelay $0x4  }
0x180: {  	v4 =	vshrl.u32 @p1 v3, $0x3  }
0x181: {  	v4 =	vmul.u32 @p1 $0x30, v4  }
0x182: {  	v5 =	vlaneseq.u32 @p1;
	v3 =	vand.u32 @p1 $0x7, v3  }
0x183: {  	v6 =	vshrl.u32 @p1 v5, $0x3;
	v3 =	vor.u32 @p1 v3, v4;
	v4 =	vand.u32 @p1 $0x7, v5  }
0x184: {  	v6 =	vmul.u32 @p1 $0x8, v6;
	v4 =	vperm.xlane @p1 v3, v4;
	_ =	sdelay $0x1  }
0x185: {  	v4 =	vadd.s32 @p1 v6, v4;
	_ =	sdelay $0x2  }
0x186: {  	v5 =	vor.u32 @p1 $0x8, v5  }
0x187: {  	s2 =	simm.s32 @p1 $0x3200;
	s0 =	simm.s32 @p1 $0x0;
	v3 =	vperm.xlane @p1 v3, v5  }
0x188: {  	[tilespmem:s2], [sflag:$0x2] =	stream.indirect_vreg.gather @p1 [hbm4b:s1+s0], $0x80, v4, vm1, $0xb8;
	[tilespmem:$0x18200] =	vst v63  }
0x189: {  	v3 =	vadd.s32 @p1 v6, v3;
	s2 =	simm.s32 @p1 $0x3A00  }
0x18a: {  	[tilespmem:s2], [sflag:$0x2] =	stream.indirect_vreg.gather @p1 [hbm4b:s9+s0], $0x80, v4, vm1, $0xb8;
	[tilespmem:$0x18200] =	vst v63  }
0x18b: {  	s2 =	simm.s32 @p1 $0x4200  }
0x18c: {  	[tilespmem:s2], [sflag:$0x2] =	stream.indirect_vreg.gather @p1 [hbm4b:s10+s0], $0x80, v4, vm1, $0xb8;
	[tilespmem:$0x18200] =	vst v63  }
0x18d: {  	s2 =	simm.s32 @p1 $0x4A00  }
0x18e: {  	[tilespmem:s2], [sflag:$0x2] =	stream.indirect_vreg.gather @p1 [hbm4b:s1+s0], $0x80, v3, vm1, $0xb8;
	[tilespmem:$0x18200] =	vst v63  }
0x18f: {  	s2 =	simm.s32 @p1 $0x5200  }
0x190: {  	[tilespmem:s2], [sflag:$0x2] =	stream.indirect_vreg.gather @p1 [hbm4b:s9+s0], $0x80, v3, vm1, $0xb8;
	[tilespmem:$0x18200] =	vst v63  }
0x191: {  	s2 =	simm.s32 @p1 $0x5A00  }
0x192: {  	[tilespmem:s2], [sflag:$0x2] =	stream.indirect_vreg.gather @p1 [hbm4b:s10+s0], $0x80, v3, vm1, $0xb8;
	[tilespmem:$0x18200] =	vst v63  }
0x193: {  	s2 =	sadd.s32 @p1 $0x7, s8  }
0x194: {  	s4 =	simm.s32 @p1 $0x4;
	s8 =	sadd.s32 @p1 s7, s2;
	s2 =	sshll.u32 @p1 s2, $0x4  }
0x195: {  	_ =	swait.ge @p1 [sflag:s4], $0x3000;
	s8 =	sshll.u32 @p1 s8, $0x4;
	s2 =	sand.u32 @p1 $0x70, s2  }
0x196: {  	[sflag:s4] =	ssyncset.done @p1 $0x0;
	s8 =	sand.u32 @p1 $0xFFFFF80, s8;
	s2 =	sadd.s32 @p1 s6, s2  }
0x197: {  	[sflag:s4] =	ssyncadd.s32 @p1 $0xFFFFD000;
	s4 =	simm.s32 @p1 $0x180;
	s2 =	sadd.s32 @p1 s8, s2  }
0x198: {  	[tilespmem:s4], [sflag:$0x8] =	stream.linear.gather @p1 [hbm4b:s2+s0], $0x80, $0x38;
	[tilespmem:$0x18200] =	vst v63  }
0x199: {  	s2 =	simm.s32 @!p1 $0x4;
	s0 =	simm.s32 $0x0  }
0x19a: {  	_ =	swait.ge @!p1 [sflag:s2], $0x3000;
	s8 =	sand.u32 $0x1C00, s0  }
0x19b: {  	s23 =	sand.u32 $0x70, s0;
	[sflag:s2] =	ssyncset.done @!p1 $0x0;
	s21 =	sadd.s32 s8, s20  }
0x19c: {  	[sflag:s2] =	ssyncadd.s32 @!p1 $0xFFFFD000;
	s24 =	sadd.s32 s23, s21  }
0x19d: {  	v3 =	vld [tilespmem:s24+$0x0];
	_ =	sdelay $0x3  }
0x19e: {  	s8 =	sor.u32 s23, s8  }
0x19f: {  	s23 =	simm.s32 $0x0;
	s24 =	simm.s32 $0x10;
	[tilespmem:s8+$0x9200] =	vst.add.f32.msk $0xffff, v3  }
.LBB2_9:
0x1a0: {  	p1 =	sne.s32 s24, $0x2F0;
	[tilespmem:s8+$0x9280] =	vst.add.f32.msk $0xffff, v3  }
0x1a1: {  	[tilespmem:s8+$0x9300] =	vst.add.f32.msk $0xffff, v3  }
0x1a2: {  	[tilespmem:s8+$0x9380] =	vst.add.f32.msk $0xffff, v3  }
0x1a3: {  	[tilespmem:s8+$0x9400] =	vst.add.f32.msk $0xffff, v3  }
0x1a4: {  	s2 =	sor.u32 s23, s0;
	s0 =	smov.u32 s24;
	[tilespmem:s8+$0x9480] =	vst.add.f32.msk $0xffff, v3  }
0x1a5: {  	s2 =	sor.u32 $0x380, s2;
	[tilespmem:s8+$0x9500] =	vst.add.f32.msk $0xffff, v3  }
0x1a6: {  	[tilespmem:s2+$0x9200] =	vst.add.f32.msk $0xffff, v3  }
0x1a7: {  	[tilespmem:s8+$0xAA00] =	vst.add.f32.msk $0xffff, v3  }
0x1a8: {  	[tilespmem:s8+$0xAA80] =	vst.add.f32.msk $0xffff, v3  }
0x1a9: {  	[tilespmem:s8+$0xAB00] =	vst.add.f32.msk $0xffff, v3  }
0x1aa: {  	[tilespmem:s8+$0xAB80] =	vst.add.f32.msk $0xffff, v3  }
0x1ab: {  	s23 =	sadd.s32 $0x80, s23;
	[tilespmem:s8+$0xAC00] =	vst.add.f32.msk $0xffff, v3  }
0x1ac: {  	s2 =	sand.u32 $0x1C00, s23;
	[tilespmem:s8+$0xAC80] =	vst.add.f32.msk $0xffff, v3  }
0x1ad: {  	s4 =	sand.u32 $0x70, s24;
	s21 =	sadd.s32 s2, s20;
	[tilespmem:s8+$0xAD00] =	vst.add.f32.msk $0xffff, v3  }
0x1ae: {  	s21 =	sadd.s32 s4, s21;
	[tilespmem:s8+$0xAD80] =	vst.add.f32.msk $0xffff, v3  }
0x1af: {  	v3 =	vld [tilespmem:s21+$0x0]  }
.Ltmp5:
0x1b0: {  	(pc) =	sbr.rel @p1 .LBB2_9-.Ltmp5, $3  }
0x1b1: {  	_ =	sdelay $0x1  }
0x1b2: {  	s8 =	sor.u32 s4, s2  }
0x1b3: {  	s24 =	sadd.s32 $0x10, s24;
	[tilespmem:s8+$0x9200] =	vst.add.f32.msk $0xffff, v3  }
0x1b4: {  	[tilespmem:s8+$0x9280] =	vst.add.f32.msk $0xffff, v3  }
0x1b5: {  	[tilespmem:s8+$0x9300] =	vst.add.f32.msk $0xffff, v3  }
0x1b6: {  	[tilespmem:s8+$0x9380] =	vst.add.f32.msk $0xffff, v3  }
0x1b7: {  	[tilespmem:s8+$0x9400] =	vst.add.f32.msk $0xffff, v3  }
0x1b8: {  	[tilespmem:s8+$0x9480] =	vst.add.f32.msk $0xffff, v3;
	s0 =	sor.u32 s23, s0  }
0x1b9: {  	[tilespmem:s8+$0x9500] =	vst.add.f32.msk $0xffff, v3;
	s0 =	sor.u32 $0x380, s0  }
0x1ba: {  	[tilespmem:s0+$0x9200] =	vst.add.f32.msk $0xffff, v3  }
0x1bb: {  	[tilespmem:s8+$0xAA00] =	vst.add.f32.msk $0xffff, v3  }
0x1bc: {  	[tilespmem:s8+$0xAA80] =	vst.add.f32.msk $0xffff, v3  }
0x1bd: {  	[tilespmem:s8+$0xAB00] =	vst.add.f32.msk $0xffff, v3  }
0x1be: {  	s4 =	rddreg [dreg:$0xd];
	[tilespmem:s8+$0xAB80] =	vst.add.f32.msk $0xffff, v3  }
0x1bf: {  	s0 =	sadd.s32 s4, s22;
	[tilespmem:s8+$0xAC00] =	vst.add.f32.msk $0xffff, v3  }
0x1c0: {  	[tilespmem:s8+$0xAC80] =	vst.add.f32.msk $0xffff, v3;
	s0 =	sor.u32 s18, s0  }
0x1c1: {  	[tilespmem:s8+$0xAD00] =	vst.add.f32.msk $0xffff, v3;
	s0 =	sshrl.u32 s0, $0x3  }
0x1c2: {  	s21 =	simm.s32 $0x9200;
	[tilespmem:s8+$0xAD80] =	vst.add.f32.msk $0xffff, v3;
	s0 =	sadd.s32 s3, s0  }
0x1c3: {  	[hbm4b:s0+s31] =	stream.strided.scatter [tilespmem:s21], [sflag:$0xC], $0x400, s28, s31, $0x38;
	[tilespmem:$0x18200] =	vst v63  }
0x1c4: {  	s4 =	simm.s32 $0x9600;
	s2 =	sadd.s32 $0x80, s0  }
0x1c5: {  	[hbm4b:s2+s31] =	stream.strided.scatter [tilespmem:s4], [sflag:$0xC], $0x400, s28, s31, $0x38;
	[tilespmem:$0x18200] =	vst v63  }
0x1c6: {  	s22 =	simm.s32 $0x9A00;
	s20 =	sadd.s32 $0x100, s0  }
0x1c7: {  	[hbm4b:s20+s31] =	stream.strided.scatter [tilespmem:s22], [sflag:$0xC], $0x400, s28, s31, $0x38;
	[tilespmem:$0x18200] =	vst v63  }
0x1c8: {  	s24 =	simm.s32 $0x9E00;
	s23 =	sadd.s32 $0x180, s0  }
0x1c9: {  	[hbm4b:s23+s31] =	stream.strided.scatter [tilespmem:s24], [sflag:$0xC], $0x400, s28, s31, $0x38;
	[tilespmem:$0x18200] =	vst v63  }
0x1ca: {  	s18 =	simm.s32 $0xA200;
	s8 =	sadd.s32 $0x200, s0  }
0x1cb: {  	[hbm4b:s8+s31] =	stream.strided.scatter [tilespmem:s18], [sflag:$0xC], $0x400, s28, s31, $0x38;
	[tilespmem:$0x18200] =	vst v63  }
0x1cc: {  	s20 =	sadd.s32 $0x280, s0;
	s22 =	simm.s32 $0xA600  }
0x1cd: {  	[hbm4b:s20+s31] =	stream.strided.scatter [tilespmem:s22], [sflag:$0xC], $0x400, s28, s31, $0x38;
	[tilespmem:$0x18200] =	vst v63  }
0x1ce: {  	s23 =	sadd.s32 $0xC000, s0;
	s24 =	simm.s32 $0xAA00  }
0x1cf: {  	[hbm4b:s23+s31] =	stream.strided.scatter [tilespmem:s24], [sflag:$0xC], $0x400, s28, s31, $0x38;
	[tilespmem:$0x18200] =	vst v63  }
0x1d0: {  	s4 =	sadd.s32 $0xC080, s0;
	s8 =	simm.s32 $0xAE00  }
0x1d1: {  	[hbm4b:s4+s31] =	stream.strided.scatter [tilespmem:s8], [sflag:$0xC], $0x400, s28, s31, $0x38;
	[tilespmem:$0x18200] =	vst v63  }
0x1d2: {  	s18 =	sadd.s32 $0xC100, s0  }
0x1d3: {  	[hbm4b:s18+s31] =	stream.strided.scatter [tilespmem:s11], [sflag:$0xC], $0x400, s28, s31, $0x38;
	[tilespmem:$0x18200] =	vst v63  }
0x1d4: {  	s20 =	sadd.s32 $0xC180, s0;
	s22 =	simm.s32 $0xB600  }
0x1d5: {  	[hbm4b:s20+s31] =	stream.strided.scatter [tilespmem:s22], [sflag:$0xC], $0x400, s28, s31, $0x38;
	[tilespmem:$0x18200] =	vst v63  }
0x1d6: {  	s23 =	sadd.s32 $0xC200, s0  }
0x1d7: {  	[hbm4b:s23+s31] =	stream.strided.scatter [tilespmem:s12], [sflag:$0xC], $0x400, s28, s31, $0x38;
	[tilespmem:$0x18200] =	vst v63  }
.Ltmp6:
0x1d8: {  	s0 =	sadd.s32 $0xC280, s0;
	s24 =	simm.s32 $0xBE00;
	(pc) =	sbr.rel @p0 .LBB2_12-.Ltmp6, $4  }
0x1d9: {  	[hbm4b:s0+s31] =	stream.strided.scatter [tilespmem:s24], [sflag:$0xC], $0x400, s28, s31, $0x38;
	[tilespmem:$0x18200] =	vst v63  }
0x1da: {  	_ =	swait.ge [sflag:s16], $0x3000  }
0x1db: {  	[sflag:s16] =	ssyncset.done $0x0  }
0x1dc: {  	[sflag:s16] =	ssyncadd.s32 $0xFFFFD000  }
0x1dd: {  	_ =	swait.ge [sflag:s19], $0x80  }
0x1de: {  	[sflag:s19] =	ssyncset.done $0x0  }
0x1df: {  	[sflag:s19] =	ssyncadd.s32 $0xFFFFFF80  }
0x1e0: {  	v3 =	vld [tilespmem:$0x100];
	_ =	sdelay $0x4  }
0x1e1: {  	v4 =	vshrl.u32 v3, $0x3  }
0x1e2: {  	v4 =	vmul.u32 $0x30, v4  }
0x1e3: {  	v3 =	vand.u32 $0x7, v3  }
0x1e4: {  	v3 =	vor.u32 v3, v4  }
0x1e5: {  	v4 =	vperm.xlane v3, v0;
	_ =	sdelay $0x1  }
0x1e6: {  	v4 =	vadd.s32 v1, v4;
	_ =	sdelay $0x3  }
0x1e7: {  	v3 =	vperm.xlane v3, v2  }
0x1e8: {  	[tilespmem:s25], [sflag:$0x3] =	stream.indirect_vreg.gather [hbm4b:s1+s5], $0x80, v4, vm0, $0xb8;
	[tilespmem:$0x18200] =	vst v63  }
0x1e9: {  	v3 =	vadd.s32 v1, v3  }
0x1ea: {  	[tilespmem:s30], [sflag:$0x3] =	stream.indirect_vreg.gather [hbm4b:s9+s5], $0x80, v4, vm0, $0xb8;
	[tilespmem:$0x18200] =	vst v63  }
0x1eb: {  	s0 =	simm.s32 $0x7200  }
0x1ec: {  	[tilespmem:s0], [sflag:$0x3] =	stream.indirect_vreg.gather [hbm4b:s10+s5], $0x80, v4, vm0, $0xb8;
	[tilespmem:$0x18200] =	vst v63  }
0x1ed: {  	s24 =	simm.s32 $0x7A00  }
0x1ee: {  	[tilespmem:s24], [sflag:$0x3] =	stream.indirect_vreg.gather [hbm4b:s1+s5], $0x80, v3, vm0, $0xb8;
	[tilespmem:$0x18200] =	vst v63  }
.Ltmp7:
0x1ef: {  	_ = 	snop;
	(pc) =	sbr.rel .LBB2_2-.Ltmp7, $4  }
0x1f0: {  	s25 =	simm.s32 $0x8200  }
0x1f1: {  	[tilespmem:s25], [sflag:$0x3] =	stream.indirect_vreg.gather [hbm4b:s9+s5], $0x80, v3, vm0, $0xb8;
	[tilespmem:$0x18200] =	vst v63  }
0x1f2: {  	s17 =	sadd.s32 $0x1, s17;
	s30 =	simm.s32 $0x8A00  }
0x1f3: {  	[tilespmem:s30], [sflag:$0x3] =	stream.indirect_vreg.gather [hbm4b:s10+s5], $0x80, v3, vm0, $0xb8;
	[tilespmem:$0x18200] =	vst v63  }
.LBB2_13:
0x1f4: {  	_ =	sfence.sel $0x180000  }
0x1f5: {  	[bflag:$0x0] =	sbarrier.arrive $0xFFFF  }
0x1f6: {  	_ =	strace $0x90000047  }
0x1f7: {  	s0 =	stileid.u32;
	[bflag:$0x2] =	sbarrier.arrive $0xFFFF  }
0x1f8: {  	p0 =	sne.s32 s0, $0x0;
	s0 =	rddreg [dreg:$0x4]  }
0x1f9: {  	s0 =	sadd.s32 @!p0 $0x100000, s0  }
0x1fa: {  	[sflag:s0] =	ssyncadd.tile.s32 @!p0 $0x1;
	_ =	shalt  }
.Lfunc_end2:
_tile_overlayer_lowered:
.L_overlay_start_2:
0x1fb: {  	(tag) =	ssettag $0x2  }
0x1fc: {  	s0 =	rddreg [dreg:$0x0];
	s2 =	stileid.u32  }
0x1fd: {  	s1 =	rddreg [dreg:$0x1];
	p0 =	sne.s32 s2, $0x0  }
0x1fe: {  	s3 =	rddreg [dreg:$0x2];
	[bflag:$0x3] =	sbarrier.arrive $0xFFFF;
	s2 =	simm.s32 @!p0 $0x1C0D  }
0x1ff: {  	[timem:s3], [sflag:s2] =	dma.local @!p0 [hbm:s0], s1  }
0x200: {  	s0 =	simm.s32 @!p0 $0xD  }
0x201: {  	_ =	swait.ge @!p0 [sflag:s0], s1  }
0x202: {  	s1 =	ssub.s32 @!p0 $0x0, s1;
	[sflag:s0] =	ssyncset.done @!p0 $0x0  }
0x203: {  	[sflag:s0] =	ssyncadd.s32 @!p0 s1  }
0x204: {  	[bflag:$0x3] =	sbarrier.arrive $0xFFFF  }
0x205: {  	_ =	shalt  }

</sc_bundles>
